<compile_context>
chip_gen: v7x
topology: tpu7x:2x2x1
jax: 0.10.2.dev20260603
libtpu: 0.0.44.dev20260713+nightly
codegen_flags: <defaults>
</compile_context>

<pallas_src>
import functools

import jax
import jax.numpy as jnp
from jax import lax
from jax.experimental import pallas as pl
from jax.experimental.pallas import tpu as pltpu
from jax.experimental.pallas import tpu_sc as plsc

N = 10000
E = 320000
D = 128
H1 = 128
H2 = 64
C = 40

NC = 2
NS = 16
NW = NC * NS
EPT = E // NW
W = 64
RPT = N // NS
ZR = 125
CNTP = 10240

CH2 = 400
CHUNKS2 = EPT // CH2

BN = 512

_SC_PARAMS = pltpu.CompilerParams(use_tc_tiling_on_sc=False,
                                  needs_layout_passes=False)
_MESH = dict(core_axis_name="c", subcore_axis_name="s")



def _front_body(x_ref, wl_ref, wr_ref, bl_ref, ya_ref, yb_ref, z_ref):
    xb = x_ref[...]
    y = jnp.dot(xb, wl_ref[...], preferred_element_type=jnp.float32)
    ya_ref[...] = y[:, :W]
    yb_ref[...] = y[:, W:]
    z_ref[...] = (jnp.dot(xb, wr_ref[...], preferred_element_type=jnp.float32)
                  + bl_ref[...])


def _front(x, Wl, Wr, bl):
    return pl.pallas_call(
        _front_body,
        grid=((N + BN - 1) // BN,),
        in_specs=[
            pl.BlockSpec((BN, D), lambda i: (i, 0)),
            pl.BlockSpec((D, H1), lambda i: (0, 0)),
            pl.BlockSpec((D, H1), lambda i: (0, 0)),
            pl.BlockSpec((H1,), lambda i: (0,)),
        ],
        out_specs=[pl.BlockSpec((BN, W), lambda i: (i, 0)),
                   pl.BlockSpec((BN, W), lambda i: (i, 0)),
                   pl.BlockSpec((BN, H1), lambda i: (i, 0))],
        out_shape=[jax.ShapeDtypeStruct((N, W), jnp.float32),
                   jax.ShapeDtypeStruct((N, W), jnp.float32),
                   jax.ShapeDtypeStruct((N, H1), jnp.float32)],
    )(x, Wl, Wr, bl)


def _mid_body(p_ref, c_ref, z_ref, wl_ref, wr_ref, bl_ref,
              y2_ref, z2_ref):
    cnt = jnp.sum(c_ref[...], axis=0)
    inv = (1.0 / jnp.maximum(cnt, 1.0))[:, None]
    h = jnp.maximum((p_ref[0] + p_ref[1]) * inv + z_ref[...], 0.0)
    y2_ref[...] = jnp.dot(h, wl_ref[...], preferred_element_type=jnp.float32)
    z2_ref[...] = (jnp.dot(h, wr_ref[...], preferred_element_type=jnp.float32)
                   + bl_ref[...])


def _mid(p, cnts, z1, Wl, Wr, bl):
    return pl.pallas_call(
        _mid_body,
        grid=((N + BN - 1) // BN,),
        in_specs=[
            pl.BlockSpec((2, BN, H1), lambda i: (0, i, 0)),
            pl.BlockSpec((NW, BN), lambda i: (0, i)),
            pl.BlockSpec((BN, H1), lambda i: (i, 0)),
            pl.BlockSpec((H1, H2), lambda i: (0, 0)),
            pl.BlockSpec((H1, H2), lambda i: (0, 0)),
            pl.BlockSpec((H2,), lambda i: (0,)),
        ],
        out_specs=[pl.BlockSpec((BN, H2), lambda i: (i, 0)),
                   pl.BlockSpec((BN, H2), lambda i: (i, 0))],
        out_shape=[jax.ShapeDtypeStruct((N, H2), jnp.float32),
                   jax.ShapeDtypeStruct((N, H2), jnp.float32)],
    )(p, cnts, z1, Wl, Wr, bl)


def _back_body(q_ref, c_ref, z_ref, wc_ref, bc_ref, o_ref):
    cnt = jnp.sum(c_ref[...], axis=0)
    inv = 1.0 / jnp.maximum(cnt, 1.0)
    q = q_ref[0, :, :H2] + q_ref[1, :, :H2]
    emb = jnp.maximum(q * inv[:, None] + z_ref[...], 0.0)
    o_ref[...] = (jnp.dot(emb, wc_ref[...], preferred_element_type=jnp.float32)
                  + bc_ref[...])


def _back(parts, cnts, z2, Wc, bc):
    return pl.pallas_call(
        _back_body,
        grid=((N + BN - 1) // BN,),
        in_specs=[
            pl.BlockSpec((2, BN, H1), lambda i: (0, i, 0)),
            pl.BlockSpec((NW, BN), lambda i: (0, i)),
            pl.BlockSpec((BN, H2), lambda i: (i, 0)),
            pl.BlockSpec((H2, C), lambda i: (0, 0)),
            pl.BlockSpec((C,), lambda i: (0,)),
        ],
        out_specs=pl.BlockSpec((BN, C), lambda i: (i, 0)),
        out_shape=jax.ShapeDtypeStruct((N, C), jnp.float32),
    )(parts, cnts, z2, Wc, bc)



def _zero_fill(zbuf_v, acc_sh, sid):
    for r in range(RPT // ZR):
        pltpu.sync_copy(zbuf_v, acc_sh.at[pl.ds(sid * RPT + r * ZR, ZR)])


def _zero_vmem_2d(buf, nrow, ncol):
    zeros16 = jnp.zeros((16,), jnp.float32)

    def _zrow(i, _):
        def _zseg(j, _):
            buf[i, pl.ds(j * 16, 16)] = zeros16
            return 0
        lax.fori_loop(0, ncol // 16, _zseg, 0)
        return 0
    lax.fori_loop(0, nrow, _zrow, 0)


def _make_cnt_chunk(dst_v, cnt_v, ch):
    ones16 = jnp.ones((16,), jnp.float32)

    def _cnt_chunk(k):
        def _cs(j, _):
            idx = dst_v[pl.ds(k * ch + j * 16, 16)]
            plsc.addupdate_scatter(cnt_v, [idx], ones16)
            return 0
        lax.fori_loop(0, ch // 16, _cs, 0)
    return _cnt_chunk



def _sc1_body(ya_hbm, yb_hbm, edge_hbm, agg_out, cnt_out,
              src_v, dst_v, rows0, rows1, zbuf_v, cnt_v, acc_sh,
              g0, g1, s0, s1):
    rows = (rows0, rows1)
    gsems = (g0, g1)
    ssems = (s0, s1)

    cid = lax.axis_index("c")
    sid = lax.axis_index("s")

    _zero_vmem_2d(zbuf_v, ZR, W)
    _zero_fill(zbuf_v, acc_sh, sid)

    def _zc(i, _):
        cnt_v[pl.ds(i * 16, 16)] = jnp.zeros((16,), jnp.float32)
        return 0
    lax.fori_loop(0, CNTP // 16, _zc, 0)

    wid = cid * NS + sid
    pltpu.sync_copy(edge_hbm.at[0, pl.ds(wid * EPT, EPT)], src_v)
    pltpu.sync_copy(edge_hbm.at[1, pl.ds(wid * EPT, EPT)], dst_v)

    plsc.subcore_barrier()

    cnt_chunk = _make_cnt_chunk(dst_v, cnt_v, CH2)
    NB = len(rows)

    def _run_phase(y_hbm, acc_sh, with_cnt):
        def _pair(g, _):
            base = NB * g
            cps = [pltpu.async_copy(
                y_hbm.at[src_v.at[pl.ds((base + b) * CH2, CH2)]], rows[b],
                gsems[b]) for b in range(NB)]
            scs = []
            for b in range(NB):
                if with_cnt:
                    cnt_chunk(base + b)
                cps[b].wait()
                scs.append(pltpu.async_copy(
                    rows[b],
                    acc_sh.at[dst_v.at[pl.ds((base + b) * CH2, CH2)]],
                    ssems[b], add=True))
            for sc in scs:
                sc.wait()
            return 0
        lax.fori_loop(0, CHUNKS2 // NB, _pair, 0)
        for k in range(CHUNKS2 - CHUNKS2 % NB, CHUNKS2):
            cp = pltpu.async_copy(
                y_hbm.at[src_v.at[pl.ds(k * CH2, CH2)]], rows[0], gsems[0])
            if with_cnt:
                cnt_chunk(k)
            cp.wait()
            pltpu.sync_copy(rows[0], acc_sh.at[dst_v.at[pl.ds(k * CH2, CH2)]],
                            add=True)

    _run_phase(ya_hbm, acc_sh, True)

    plsc.subcore_barrier()
    pltpu.sync_copy(acc_sh.at[pl.ds(sid * RPT, RPT)],
                    agg_out.at[cid, pl.ds(sid * RPT, RPT), pl.ds(0, W)])
    _zero_fill(zbuf_v, acc_sh, sid)
    pltpu.sync_copy(cnt_v, cnt_out.at[wid])
    plsc.subcore_barrier()

    _run_phase(yb_hbm, acc_sh, False)

    plsc.subcore_barrier()
    pltpu.sync_copy(acc_sh.at[pl.ds(sid * RPT, RPT)],
                    agg_out.at[cid, pl.ds(sid * RPT, RPT), pl.ds(W, W)])


def _sc_pass1(ya, yb, edge_index):
    mesh = plsc.VectorSubcoreMesh(**_MESH)
    out_type = (jax.ShapeDtypeStruct((NC, N, H1), jnp.float32),
                jax.ShapeDtypeStruct((NW, CNTP), jnp.float32))
    scratch = [
        pltpu.VMEM((EPT,), jnp.int32),
        pltpu.VMEM((EPT,), jnp.int32),
        pltpu.VMEM((CH2, W), jnp.float32),
        pltpu.VMEM((CH2, W), jnp.float32),
        pltpu.VMEM((ZR, W), jnp.float32),
        pltpu.VMEM((CNTP,), jnp.float32),
        pltpu.VMEM_SHARED((N, W), jnp.float32),
    ] + [pltpu.SemaphoreType.DMA] * 4
    kfn = functools.partial(
        pl.kernel, out_type=out_type, mesh=mesh, scratch_types=scratch,
        compiler_params=_SC_PARAMS,
    )(_sc1_body)
    return kfn(ya, yb, edge_index)



def _sc2_body(y_hbm, edge_hbm, acc_out, cnt_out,
              src_v, dst_v, rows0, rows1, zbuf_v, cnt_v, acc_sh,
              g0, g1, s0, s1):
    rows = (rows0, rows1)
    gsems = (g0, g1)
    ssems = (s0, s1)

    cid = lax.axis_index("c")
    sid = lax.axis_index("s")

    _zero_vmem_2d(zbuf_v, ZR, W)
    _zero_fill(zbuf_v, acc_sh, sid)

    def _zc(i, _):
        cnt_v[pl.ds(i * 16, 16)] = jnp.zeros((16,), jnp.float32)
        return 0
    lax.fori_loop(0, CNTP // 16, _zc, 0)

    wid = cid * NS + sid
    pltpu.sync_copy(edge_hbm.at[0, pl.ds(wid * EPT, EPT)], src_v)
    pltpu.sync_copy(edge_hbm.at[1, pl.ds(wid * EPT, EPT)], dst_v)

    plsc.subcore_barrier()

    cnt_chunk = _make_cnt_chunk(dst_v, cnt_v, CH2)
    NB = len(rows)

    def _pair(g, _):
        base = NB * g
        cps = [pltpu.async_copy(
            y_hbm.at[src_v.at[pl.ds((base + b) * CH2, CH2)]], rows[b],
            gsems[b]) for b in range(NB)]
        scs = []
        for b in range(NB):
            cnt_chunk(base + b)
            cps[b].wait()
            scs.append(pltpu.async_copy(
                rows[b], acc_sh.at[dst_v.at[pl.ds((base + b) * CH2, CH2)]],
                ssems[b], add=True))
        for sc in scs:
            sc.wait()
        return 0
    lax.fori_loop(0, CHUNKS2 // NB, _pair, 0)
    for k in range(CHUNKS2 - CHUNKS2 % NB, CHUNKS2):
        cp = pltpu.async_copy(
            y_hbm.at[src_v.at[pl.ds(k * CH2, CH2)]], rows[0], gsems[0])
        cnt_chunk(k)
        cp.wait()
        pltpu.sync_copy(rows[0], acc_sh.at[dst_v.at[pl.ds(k * CH2, CH2)]],
                        add=True)

    plsc.subcore_barrier()

    pltpu.sync_copy(acc_sh.at[pl.ds(sid * RPT, RPT)],
                    acc_out.at[cid, pl.ds(sid * RPT, RPT), pl.ds(0, W)])
    pltpu.sync_copy(cnt_v, cnt_out.at[wid])


def _sc_pass2(y2, edge_index):
    mesh = plsc.VectorSubcoreMesh(**_MESH)
    out_type = (jax.ShapeDtypeStruct((NC, N, H1), jnp.float32),
                jax.ShapeDtypeStruct((NW, CNTP), jnp.float32))
    scratch = [
        pltpu.VMEM((EPT,), jnp.int32),
        pltpu.VMEM((EPT,), jnp.int32),
        pltpu.VMEM((CH2, W), jnp.float32),
        pltpu.VMEM((CH2, W), jnp.float32),
        pltpu.VMEM((ZR, W), jnp.float32),
        pltpu.VMEM((CNTP,), jnp.float32),
        pltpu.VMEM_SHARED((N, W), jnp.float32),
    ] + [pltpu.SemaphoreType.DMA] * 4
    kfn = functools.partial(
        pl.kernel, out_type=out_type, mesh=mesh, scratch_types=scratch,
        compiler_params=_SC_PARAMS,
    )(_sc2_body)
    return kfn(y2, edge_index)



def kernel(x, edge_index, Wl1, bl1, Wr1, Wl2, bl2, Wr2, Wc, bc):
    y1a, y1b, z1 = _front(x, Wl1, Wr1, bl1)
    agg1, cnt = _sc_pass1(y1a, y1b, edge_index)
    y2, z2 = _mid(agg1, cnt, z1, Wl2, Wr2, bl2)
    agg2, _ = _sc_pass2(y2, edge_index)
    return _back(agg2, cnt, z2, Wc, bc)

# --- scband reference (transcript-rebuilt; emitter-appended) ---
"""Pipeline reference for scband-annotation-model-71683004170723 (READ-ONLY COPY).

The authoritative reference and input builder live on the scoring server;
editing this copy changes nothing except your own understanding.
"""

import jax, jax.numpy as jnp
import numpy as np

N = 10000
E = 320000
D = 128
H1 = 128
H2 = 64
C = 40


def setup_inputs(seed: int = 0) -> dict:
    key = jax.random.key(seed)
    ks = jax.random.split(key, 10)
    x = jax.random.normal(ks[0], (N, D), dtype=jnp.float32)
    edge_index = jax.random.randint(ks[1], (2, E), 0, N, dtype=jnp.int32)
    Wl1 = jax.random.normal(ks[2], (D, H1), dtype=jnp.float32) / np.sqrt(D)
    bl1 = jnp.zeros((H1,), dtype=jnp.float32)
    Wr1 = jax.random.normal(ks[3], (D, H1), dtype=jnp.float32) / np.sqrt(D)
    Wl2 = jax.random.normal(ks[4], (H1, H2), dtype=jnp.float32) / np.sqrt(H1)
    bl2 = jnp.zeros((H2,), dtype=jnp.float32)
    Wr2 = jax.random.normal(ks[5], (H1, H2), dtype=jnp.float32) / np.sqrt(H1)
    Wc = jax.random.normal(ks[6], (H2, C), dtype=jnp.float32) / np.sqrt(H2)
    bc = jnp.zeros((C,), dtype=jnp.float32)
    return {"x": x, "edge_index": edge_index, "Wl1": Wl1, "bl1": bl1, "Wr1": Wr1,
            "Wl2": Wl2, "bl2": bl2, "Wr2": Wr2, "Wc": Wc, "bc": bc}


def _sage_conv(x, edge_index, Wl, bl, Wr):
    # PyG SAGEConv (mean aggregation): out = lin_l(mean_j x_j) + lin_r(x_i)
    src = edge_index[0]
    dst = edge_index[1]
    msgs = jnp.take(x, src, axis=0)
    agg = jax.ops.segment_sum(msgs, dst, num_segments=x.shape[0])
    cnt = jax.ops.segment_sum(jnp.ones((msgs.shape[0],), dtype=x.dtype), dst,
                              num_segments=x.shape[0])
    mean = agg / jnp.clip(cnt, 1.0, None)[:, None]
    return mean @ Wl + bl + x @ Wr


def reference(x, edge_index, Wl1, bl1, Wr1, Wl2, bl2, Wr2, Wc, bc):
    h = jax.nn.relu(_sage_conv(x, edge_index, Wl1, bl1, Wr1))
    h = _sage_conv(h, edge_index, Wl2, bl2, Wr2)
    emb = jax.nn.relu(h)
    clas = emb @ Wc + bc
    return clas

if __name__ == "__main__":
    import jax
    _d = setup_inputs()
    print(jax.jit(kernel)(*tuple(_d.values())))

</pallas_src>

<mosaic_0001>
#map = affine_map<(d0, d1) -> (0, 0)>
#map1 = affine_map<(d0, d1) -> (0, 0, 0)>
module attributes {stable_mosaic.version = 14 : i64} {
  func.func @_sc1_body(%arg0: i32, %arg1: i32, %arg2: memref<10000x64xf32, #tpu.memory_space<hbm>>, %arg3: memref<10000x64xf32, #tpu.memory_space<hbm>>, %arg4: memref<2x320000xi32, #tpu.memory_space<hbm>>, %arg5: memref<2x10000x128xf32, #tpu.memory_space<hbm>>, %arg6: memref<32x10240xf32, #tpu.memory_space<hbm>>, %arg7: memref<10000xi32, #tpu.memory_space<vmem>>, %arg8: memref<10000xi32, #tpu.memory_space<vmem>>, %arg9: memref<400x64xf32, #tpu.memory_space<vmem>>, %arg10: memref<400x64xf32, #tpu.memory_space<vmem>>, %arg11: memref<125x64xf32, #tpu.memory_space<vmem>>, %arg12: memref<10240xf32, #tpu.memory_space<vmem>>, %arg13: memref<10000x64xf32, #tpu.memory_space<vmem_shared>>, %arg14: memref<!tpu.dma_semaphore, #tpu.memory_space<semaphore_mem>>, %arg15: memref<!tpu.dma_semaphore, #tpu.memory_space<semaphore_mem>>, %arg16: memref<!tpu.dma_semaphore, #tpu.memory_space<semaphore_mem>>, %arg17: memref<!tpu.dma_semaphore, #tpu.memory_space<semaphore_mem>>) attributes {dimension_semantics = [#tpu.dimension_semantics<core_parallel>, #tpu.dimension_semantics<subcore_parallel>], iteration_bounds = array<i64: 2, 16>, scalar_prefetch = 0 : i64, scratch_operands = 11 : i64, tpu.core_type = #tpu.core_type<sc_vector_subcore>, window_params = [{transform_indices = #map}, {transform_indices = #map}, {transform_indices = #map}, {transform_indices = #map1}, {transform_indices = #map}]} {
    %broadcast_in_dim3A = arith.constant 0.000000e+00 : f32
    %broadcast_in_dim3A_0 = vector.broadcast %broadcast_in_dim3A : f32 to vector<16xf32>
    %scan3A = arith.constant 0 : i32
    %scan3A_1 = arith.constant 0 : i32
    %scan3A_2 = arith.constant 125 : i32
    %scan3A_3 = arith.addi %scan3A_1, %scan3A_2 : i32
    %scan3A_4 = arith.constant 1 : i32
    %scan3A_5 = scf.for %scan3A_112 = %scan3A_1 to %scan3A_3 step %scan3A_4 iter_args(%scan3A_113 = %scan3A) -> (i32)  : i32 {
      %scan3A_114 = arith.constant 0 : i32
      %scan3A_115 = arith.constant 0 : i32
      %scan3A_116 = arith.constant 4 : i32
      %scan3A_117 = arith.addi %scan3A_115, %scan3A_116 : i32
      %scan3A_118 = arith.constant 1 : i32
      %scan3A_119 = scf.for %scan3A_122 = %scan3A_115 to %scan3A_117 step %scan3A_118 iter_args(%scan3A_123 = %scan3A_114) -> (i32)  : i32 {
        %mul3A_124 = arith.constant 16 : i32
        %mul3A_125 = arith.muli %scan3A_122, %mul3A_124 : i32
        %swap3A = arith.index_cast %scan3A_112 : i32 to index
        %swap3A_126 = arith.index_cast %mul3A_125 : i32 to index
        %swap3A_127 = tpu.vector_load %arg11[%swap3A, %swap3A_126] {strides = array<i32>} : memref<125x64xf32, #tpu.memory_space<vmem>>, vector<16xf32>,
        tpu.vector_store %arg11[%swap3A, %swap3A_126], %broadcast_in_dim3A_0 {strides = array<i32>} : memref<125x64xf32, #tpu.memory_space<vmem>>, vector<16xf32>,
        %scan3A_128 = arith.constant 0 : i32
        scf.yield %scan3A_128 : i32
      }
      %scan3A_120 = arith.constant 4 : i32
      %scan3A_121 = arith.constant 0 : i32
      scf.yield %scan3A_121 : i32
    }
    %scan3A_6 = arith.constant 125 : i32
    %mul3A = arith.constant 625 : i32
    %mul3A_7 = arith.muli %arg1, %mul3A : i32
    %add3A = arith.constant 0 : i32
    %add3A_8 = arith.addi %mul3A_7, %add3A : i32
    "tpu.region"() ({
      %run_scoped3A_112 = tpu.sem_alloc : memref<!tpu.dma_semaphore, #tpu.memory_space<semaphore_mem>>
      %dma_start3A_113 = arith.constant 0 : i32
      %dma_start3A_114 = tpu.memref_slice %arg13[%add3A_8, %dma_start3A_113] : memref<10000x64xf32, #tpu.memory_space<vmem_shared>> -> memref<125x64xf32, #tpu.memory_space<vmem_shared>>
      %dma_start3A_115 = arith.constant 0 : i32
      %dma_start3A_116 = tpu.memref_slice %arg13[%add3A_8, %dma_start3A_115] : memref<10000x64xf32, #tpu.memory_space<vmem_shared>> -> memref<125x64xf32, #tpu.memory_space<vmem_shared>>
      tpu.enqueue_dma source(%arg11 : memref<125x64xf32, #tpu.memory_space<vmem>>) target(%dma_start3A_116 : memref<125x64xf32, #tpu.memory_space<vmem_shared>>) target_semaphore(%run_scoped3A_112 : memref<!tpu.dma_semaphore, #tpu.memory_space<semaphore_mem>>)
      %dma_wait3A_117 = arith.constant 0 : i32
      %dma_wait3A_118 = tpu.memref_slice %arg13[%add3A_8, %dma_wait3A_117] : memref<10000x64xf32, #tpu.memory_space<vmem_shared>> -> memref<125x64xf32, #tpu.memory_space<vmem_shared>>
      %dma_wait3A_119 = arith.constant 0 : i32
      %dma_wait3A_120 = tpu.memref_slice %arg13[%add3A_8, %dma_wait3A_119] : memref<10000x64xf32, #tpu.memory_space<vmem_shared>> -> memref<125x64xf32, #tpu.memory_space<vmem_shared>>
      tpu.wait_dma2 semaphore(%run_scoped3A_112 : memref<!tpu.dma_semaphore, #tpu.memory_space<semaphore_mem>>) src(%arg11 : memref<125x64xf32, #tpu.memory_space<vmem>>) dst(%dma_wait3A_120 : memref<125x64xf32, #tpu.memory_space<vmem_shared>>)
      tpu.yield
    }) : () -> ()
    %mul3A_9 = arith.constant 625 : i32
    %mul3A_10 = arith.muli %arg1, %mul3A_9 : i32
    %add3A_11 = arith.constant 125 : i32
    %add3A_12 = arith.addi %mul3A_10, %add3A_11 : i32
    "tpu.region"() ({
      %run_scoped3A_112 = tpu.sem_alloc : memref<!tpu.dma_semaphore, #tpu.memory_space<semaphore_mem>>
      %dma_start3A_113 = arith.constant 0 : i32
      %dma_start3A_114 = tpu.memref_slice %arg13[%add3A_12, %dma_start3A_113] : memref<10000x64xf32, #tpu.memory_space<vmem_shared>> -> memref<125x64xf32, #tpu.memory_space<vmem_shared>>
      %dma_start3A_115 = arith.constant 0 : i32
      %dma_start3A_116 = tpu.memref_slice %arg13[%add3A_12, %dma_start3A_115] : memref<10000x64xf32, #tpu.memory_space<vmem_shared>> -> memref<125x64xf32, #tpu.memory_space<vmem_shared>>
      tpu.enqueue_dma source(%arg11 : memref<125x64xf32, #tpu.memory_space<vmem>>) target(%dma_start3A_116 : memref<125x64xf32, #tpu.memory_space<vmem_shared>>) target_semaphore(%run_scoped3A_112 : memref<!tpu.dma_semaphore, #tpu.memory_space<semaphore_mem>>)
      %dma_wait3A_117 = arith.constant 0 : i32
      %dma_wait3A_118 = tpu.memref_slice %arg13[%add3A_12, %dma_wait3A_117] : memref<10000x64xf32, #tpu.memory_space<vmem_shared>> -> memref<125x64xf32, #tpu.memory_space<vmem_shared>>
      %dma_wait3A_119 = arith.constant 0 : i32
      %dma_wait3A_120 = tpu.memref_slice %arg13[%add3A_12, %dma_wait3A_119] : memref<10000x64xf32, #tpu.memory_space<vmem_shared>> -> memref<125x64xf32, #tpu.memory_space<vmem_shared>>
      tpu.wait_dma2 semaphore(%run_scoped3A_112 : memref<!tpu.dma_semaphore, #tpu.memory_space<semaphore_mem>>) src(%arg11 : memref<125x64xf32, #tpu.memory_space<vmem>>) dst(%dma_wait3A_120 : memref<125x64xf32, #tpu.memory_space<vmem_shared>>)
      tpu.yield
    }) : () -> ()
    %mul3A_13 = arith.constant 625 : i32
    %mul3A_14 = arith.muli %arg1, %mul3A_13 : i32
    %add3A_15 = arith.constant 250 : i32
    %add3A_16 = arith.addi %mul3A_14, %add3A_15 : i32
    "tpu.region"() ({
      %run_scoped3A_112 = tpu.sem_alloc : memref<!tpu.dma_semaphore, #tpu.memory_space<semaphore_mem>>
      %dma_start3A_113 = arith.constant 0 : i32
      %dma_start3A_114 = tpu.memref_slice %arg13[%add3A_16, %dma_start3A_113] : memref<10000x64xf32, #tpu.memory_space<vmem_shared>> -> memref<125x64xf32, #tpu.memory_space<vmem_shared>>
      %dma_start3A_115 = arith.constant 0 : i32
      %dma_start3A_116 = tpu.memref_slice %arg13[%add3A_16, %dma_start3A_115] : memref<10000x64xf32, #tpu.memory_space<vmem_shared>> -> memref<125x64xf32, #tpu.memory_space<vmem_shared>>
      tpu.enqueue_dma source(%arg11 : memref<125x64xf32, #tpu.memory_space<vmem>>) target(%dma_start3A_116 : memref<125x64xf32, #tpu.memory_space<vmem_shared>>) target_semaphore(%run_scoped3A_112 : memref<!tpu.dma_semaphore, #tpu.memory_space<semaphore_mem>>)
      %dma_wait3A_117 = arith.constant 0 : i32
      %dma_wait3A_118 = tpu.memref_slice %arg13[%add3A_16, %dma_wait3A_117] : memref<10000x64xf32, #tpu.memory_space<vmem_shared>> -> memref<125x64xf32, #tpu.memory_space<vmem_shared>>
      %dma_wait3A_119 = arith.constant 0 : i32
      %dma_wait3A_120 = tpu.memref_slice %arg13[%add3A_16, %dma_wait3A_119] : memref<10000x64xf32, #tpu.memory_space<vmem_shared>> -> memref<125x64xf32, #tpu.memory_space<vmem_shared>>
      tpu.wait_dma2 semaphore(%run_scoped3A_112 : memref<!tpu.dma_semaphore, #tpu.memory_space<semaphore_mem>>) src(%arg11 : memref<125x64xf32, #tpu.memory_space<vmem>>) dst(%dma_wait3A_120 : memref<125x64xf32, #tpu.memory_space<vmem_shared>>)
      tpu.yield
    }) : () -> ()
    %mul3A_17 = arith.constant 625 : i32
    %mul3A_18 = arith.muli %arg1, %mul3A_17 : i32
    %add3A_19 = arith.constant 375 : i32
    %add3A_20 = arith.addi %mul3A_18, %add3A_19 : i32
    "tpu.region"() ({
      %run_scoped3A_112 = tpu.sem_alloc : memref<!tpu.dma_semaphore, #tpu.memory_space<semaphore_mem>>
      %dma_start3A_113 = arith.constant 0 : i32
      %dma_start3A_114 = tpu.memref_slice %arg13[%add3A_20, %dma_start3A_113] : memref<10000x64xf32, #tpu.memory_space<vmem_shared>> -> memref<125x64xf32, #tpu.memory_space<vmem_shared>>
      %dma_start3A_115 = arith.constant 0 : i32
      %dma_start3A_116 = tpu.memref_slice %arg13[%add3A_20, %dma_start3A_115] : memref<10000x64xf32, #tpu.memory_space<vmem_shared>> -> memref<125x64xf32, #tpu.memory_space<vmem_shared>>
      tpu.enqueue_dma source(%arg11 : memref<125x64xf32, #tpu.memory_space<vmem>>) target(%dma_start3A_116 : memref<125x64xf32, #tpu.memory_space<vmem_shared>>) target_semaphore(%run_scoped3A_112 : memref<!tpu.dma_semaphore, #tpu.memory_space<semaphore_mem>>)
      %dma_wait3A_117 = arith.constant 0 : i32
      %dma_wait3A_118 = tpu.memref_slice %arg13[%add3A_20, %dma_wait3A_117] : memref<10000x64xf32, #tpu.memory_space<vmem_shared>> -> memref<125x64xf32, #tpu.memory_space<vmem_shared>>
      %dma_wait3A_119 = arith.constant 0 : i32
      %dma_wait3A_120 = tpu.memref_slice %arg13[%add3A_20, %dma_wait3A_119] : memref<10000x64xf32, #tpu.memory_space<vmem_shared>> -> memref<125x64xf32, #tpu.memory_space<vmem_shared>>
      tpu.wait_dma2 semaphore(%run_scoped3A_112 : memref<!tpu.dma_semaphore, #tpu.memory_space<semaphore_mem>>) src(%arg11 : memref<125x64xf32, #tpu.memory_space<vmem>>) dst(%dma_wait3A_120 : memref<125x64xf32, #tpu.memory_space<vmem_shared>>)
      tpu.yield
    }) : () -> ()
    %mul3A_21 = arith.constant 625 : i32
    %mul3A_22 = arith.muli %arg1, %mul3A_21 : i32
    %add3A_23 = arith.constant 500 : i32
    %add3A_24 = arith.addi %mul3A_22, %add3A_23 : i32
    "tpu.region"() ({
      %run_scoped3A_112 = tpu.sem_alloc : memref<!tpu.dma_semaphore, #tpu.memory_space<semaphore_mem>>
      %dma_start3A_113 = arith.constant 0 : i32
      %dma_start3A_114 = tpu.memref_slice %arg13[%add3A_24, %dma_start3A_113] : memref<10000x64xf32, #tpu.memory_space<vmem_shared>> -> memref<125x64xf32, #tpu.memory_space<vmem_shared>>
      %dma_start3A_115 = arith.constant 0 : i32
      %dma_start3A_116 = tpu.memref_slice %arg13[%add3A_24, %dma_start3A_115] : memref<10000x64xf32, #tpu.memory_space<vmem_shared>> -> memref<125x64xf32, #tpu.memory_space<vmem_shared>>
      tpu.enqueue_dma source(%arg11 : memref<125x64xf32, #tpu.memory_space<vmem>>) target(%dma_start3A_116 : memref<125x64xf32, #tpu.memory_space<vmem_shared>>) target_semaphore(%run_scoped3A_112 : memref<!tpu.dma_semaphore, #tpu.memory_space<semaphore_mem>>)
      %dma_wait3A_117 = arith.constant 0 : i32
      %dma_wait3A_118 = tpu.memref_slice %arg13[%add3A_24, %dma_wait3A_117] : memref<10000x64xf32, #tpu.memory_space<vmem_shared>> -> memref<125x64xf32, #tpu.memory_space<vmem_shared>>
      %dma_wait3A_119 = arith.constant 0 : i32
      %dma_wait3A_120 = tpu.memref_slice %arg13[%add3A_24, %dma_wait3A_119] : memref<10000x64xf32, #tpu.memory_space<vmem_shared>> -> memref<125x64xf32, #tpu.memory_space<vmem_shared>>
      tpu.wait_dma2 semaphore(%run_scoped3A_112 : memref<!tpu.dma_semaphore, #tpu.memory_space<semaphore_mem>>) src(%arg11 : memref<125x64xf32, #tpu.memory_space<vmem>>) dst(%dma_wait3A_120 : memref<125x64xf32, #tpu.memory_space<vmem_shared>>)
      tpu.yield
    }) : () -> ()
    %scan3A_25 = arith.constant 0 : i32
    %scan3A_26 = arith.constant 0 : i32
    %scan3A_27 = arith.constant 640 : i32
    %scan3A_28 = arith.addi %scan3A_26, %scan3A_27 : i32
    %scan3A_29 = arith.constant 1 : i32
    %scan3A_30 = scf.for %scan3A_112 = %scan3A_26 to %scan3A_28 step %scan3A_29 iter_args(%scan3A_113 = %scan3A_25) -> (i32)  : i32 {
      %broadcast_in_dim3A_114 = arith.constant 0.000000e+00 : f32
      %broadcast_in_dim3A_115 = vector.broadcast %broadcast_in_dim3A_114 : f32 to vector<16xf32>
      %mul3A_116 = arith.constant 16 : i32
      %mul3A_117 = arith.muli %scan3A_112, %mul3A_116 : i32
      %swap3A = arith.index_cast %mul3A_117 : i32 to index
      %swap3A_118 = tpu.vector_load %arg12[%swap3A] {strides = array<i32>} : memref<10240xf32, #tpu.memory_space<vmem>>, vector<16xf32>,
      tpu.vector_store %arg12[%swap3A], %broadcast_in_dim3A_115 {strides = array<i32>} : memref<10240xf32, #tpu.memory_space<vmem>>, vector<16xf32>,
      %scan3A_119 = arith.constant 0 : i32
      scf.yield %scan3A_119 : i32
    }
    %scan3A_31 = arith.constant 640 : i32
    %mul3A_32 = arith.constant 16 : i32
    %mul3A_33 = arith.muli %arg0, %mul3A_32 : i32
    %add3A_34 = arith.addi %mul3A_33, %arg1 : i32
    %mul3A_35 = arith.constant 10000 : i32
    %mul3A_36 = arith.muli %add3A_34, %mul3A_35 : i32
    %run_scoped3A = arith.constant 0 : i32
    "tpu.region"() ({
      %run_scoped3A_112 = tpu.sem_alloc : memref<!tpu.dma_semaphore, #tpu.memory_space<semaphore_mem>>
      %dma_start3A_113 = tpu.memref_slice %arg4[%run_scoped3A, %mul3A_36] : memref<2x320000xi32, #tpu.memory_space<hbm>> -> memref<1x10000xi32, #tpu.memory_space<hbm>>
      %dma_start3A_114 = tpu.memref_squeeze %dma_start3A_113 : memref<1x10000xi32, #tpu.memory_space<hbm>> -> memref<10000xi32, #tpu.memory_space<hbm>>
      %dma_start3A_115 = tpu.memref_slice %arg4[%run_scoped3A, %mul3A_36] : memref<2x320000xi32, #tpu.memory_space<hbm>> -> memref<1x10000xi32, #tpu.memory_space<hbm>>
      %dma_start3A_116 = tpu.memref_squeeze %dma_start3A_115 : memref<1x10000xi32, #tpu.memory_space<hbm>> -> memref<10000xi32, #tpu.memory_space<hbm>>
      tpu.enqueue_dma source(%dma_start3A_116 : memref<10000xi32, #tpu.memory_space<hbm>>) target(%arg7 : memref<10000xi32, #tpu.memory_space<vmem>>) target_semaphore(%run_scoped3A_112 : memref<!tpu.dma_semaphore, #tpu.memory_space<semaphore_mem>>)
      %dma_wait3A_117 = tpu.memref_slice %arg4[%run_scoped3A, %mul3A_36] : memref<2x320000xi32, #tpu.memory_space<hbm>> -> memref<1x10000xi32, #tpu.memory_space<hbm>>
      %dma_wait3A_118 = tpu.memref_squeeze %dma_wait3A_117 : memref<1x10000xi32, #tpu.memory_space<hbm>> -> memref<10000xi32, #tpu.memory_space<hbm>>
      %dma_wait3A_119 = tpu.memref_slice %arg4[%run_scoped3A, %mul3A_36] : memref<2x320000xi32, #tpu.memory_space<hbm>> -> memref<1x10000xi32, #tpu.memory_space<hbm>>
      %dma_wait3A_120 = tpu.memref_squeeze %dma_wait3A_119 : memref<1x10000xi32, #tpu.memory_space<hbm>> -> memref<10000xi32, #tpu.memory_space<hbm>>
      tpu.wait_dma2 semaphore(%run_scoped3A_112 : memref<!tpu.dma_semaphore, #tpu.memory_space<semaphore_mem>>) src(%dma_wait3A_120 : memref<10000xi32, #tpu.memory_space<hbm>>) dst(%arg7 : memref<10000xi32, #tpu.memory_space<vmem>>)
      tpu.yield
    }) : () -> ()
    %mul3A_37 = arith.constant 10000 : i32
    %mul3A_38 = arith.muli %add3A_34, %mul3A_37 : i32
    %run_scoped3A_39 = arith.constant 1 : i32
    "tpu.region"() ({
      %run_scoped3A_112 = tpu.sem_alloc : memref<!tpu.dma_semaphore, #tpu.memory_space<semaphore_mem>>
      %dma_start3A_113 = tpu.memref_slice %arg4[%run_scoped3A_39, %mul3A_38] : memref<2x320000xi32, #tpu.memory_space<hbm>> -> memref<1x10000xi32, #tpu.memory_space<hbm>>
      %dma_start3A_114 = tpu.memref_squeeze %dma_start3A_113 : memref<1x10000xi32, #tpu.memory_space<hbm>> -> memref<10000xi32, #tpu.memory_space<hbm>>
      %dma_start3A_115 = tpu.memref_slice %arg4[%run_scoped3A_39, %mul3A_38] : memref<2x320000xi32, #tpu.memory_space<hbm>> -> memref<1x10000xi32, #tpu.memory_space<hbm>>
      %dma_start3A_116 = tpu.memref_squeeze %dma_start3A_115 : memref<1x10000xi32, #tpu.memory_space<hbm>> -> memref<10000xi32, #tpu.memory_space<hbm>>
      tpu.enqueue_dma source(%dma_start3A_116 : memref<10000xi32, #tpu.memory_space<hbm>>) target(%arg8 : memref<10000xi32, #tpu.memory_space<vmem>>) target_semaphore(%run_scoped3A_112 : memref<!tpu.dma_semaphore, #tpu.memory_space<semaphore_mem>>)
      %dma_wait3A_117 = tpu.memref_slice %arg4[%run_scoped3A_39, %mul3A_38] : memref<2x320000xi32, #tpu.memory_space<hbm>> -> memref<1x10000xi32, #tpu.memory_space<hbm>>
      %dma_wait3A_118 = tpu.memref_squeeze %dma_wait3A_117 : memref<1x10000xi32, #tpu.memory_space<hbm>> -> memref<10000xi32, #tpu.memory_space<hbm>>
      %dma_wait3A_119 = tpu.memref_slice %arg4[%run_scoped3A_39, %mul3A_38] : memref<2x320000xi32, #tpu.memory_space<hbm>> -> memref<1x10000xi32, #tpu.memory_space<hbm>>
      %dma_wait3A_120 = tpu.memref_squeeze %dma_wait3A_119 : memref<1x10000xi32, #tpu.memory_space<hbm>> -> memref<10000xi32, #tpu.memory_space<hbm>>
      tpu.wait_dma2 semaphore(%run_scoped3A_112 : memref<!tpu.dma_semaphore, #tpu.memory_space<semaphore_mem>>) src(%dma_wait3A_120 : memref<10000xi32, #tpu.memory_space<hbm>>) dst(%arg8 : memref<10000xi32, #tpu.memory_space<vmem>>)
      tpu.yield
    }) : () -> ()
    %barrier3A = arith.constant 0 : index
    tpu.barrier barrier_id(%barrier3A)
    %broadcast_in_dim3A_40 = arith.constant 1.000000e+00 : f32
    %broadcast_in_dim3A_41 = vector.broadcast %broadcast_in_dim3A_40 : f32 to vector<16xf32>
    %scan3A_42 = arith.constant 0 : i32
    %scan3A_43 = arith.constant 0 : i32
    %scan3A_44 = arith.constant 12 : i32
    %scan3A_45 = arith.addi %scan3A_43, %scan3A_44 : i32
    %scan3A_46 = arith.constant 1 : i32
    %scan3A_47 = scf.for %scan3A_112 = %scan3A_43 to %scan3A_45 step %scan3A_46 iter_args(%scan3A_113 = %scan3A_42) -> (i32)  : i32 {
      %mul3A_114 = arith.constant 2 : i32
      %mul3A_115 = arith.muli %mul3A_114, %scan3A_112 : i32
      %add3A_116 = arith.constant 0 : i32
      %add3A_117 = arith.addi %mul3A_115, %add3A_116 : i32
      %mul3A_118 = arith.constant 400 : i32
      %mul3A_119 = arith.muli %add3A_117, %mul3A_118 : i32
      %dma_start3A_120 = tpu.memref_slice %arg7[%mul3A_119] : memref<10000xi32, #tpu.memory_space<vmem>> -> memref<400xi32, #tpu.memory_space<vmem>>
      %dma_start3A_121 = arith.constant 0 : i32
      %dma_start3A_122 = arith.constant 0 : i32
      %dma_start3A_123 = tpu.memref_slice %arg2[%dma_start3A_121, %dma_start3A_122] : memref<10000x64xf32, #tpu.memory_space<hbm>> -> memref<10000x64xf32, #tpu.memory_space<hbm>>
      tpu.enqueue_indirect_dma source(%dma_start3A_123 : memref<10000x64xf32, #tpu.memory_space<hbm>>) target(%arg9 : memref<400x64xf32, #tpu.memory_space<vmem>>) offsets(%dma_start3A_120 : memref<400xi32, #tpu.memory_space<vmem>>) semaphore(%arg14 : memref<!tpu.dma_semaphore, #tpu.memory_space<semaphore_mem>>)
      %add3A_124 = arith.constant 1 : i32
      %add3A_125 = arith.addi %mul3A_115, %add3A_124 : i32
      %mul3A_126 = arith.constant 400 : i32
      %mul3A_127 = arith.muli %add3A_125, %mul3A_126 : i32
      %dma_start3A_128 = tpu.memref_slice %arg7[%mul3A_127] : memref<10000xi32, #tpu.memory_space<vmem>> -> memref<400xi32, #tpu.memory_space<vmem>>
      %dma_start3A_129 = arith.constant 0 : i32
      %dma_start3A_130 = arith.constant 0 : i32
      %dma_start3A_131 = tpu.memref_slice %arg2[%dma_start3A_129, %dma_start3A_130] : memref<10000x64xf32, #tpu.memory_space<hbm>> -> memref<10000x64xf32, #tpu.memory_space<hbm>>
      tpu.enqueue_indirect_dma source(%dma_start3A_131 : memref<10000x64xf32, #tpu.memory_space<hbm>>) target(%arg10 : memref<400x64xf32, #tpu.memory_space<vmem>>) offsets(%dma_start3A_128 : memref<400xi32, #tpu.memory_space<vmem>>) semaphore(%arg15 : memref<!tpu.dma_semaphore, #tpu.memory_space<semaphore_mem>>)
      %add3A_132 = arith.constant 0 : i32
      %add3A_133 = arith.addi %mul3A_115, %add3A_132 : i32
      %scan3A_134 = arith.constant 0 : i32
      %scan3A_135 = arith.constant 0 : i32
      %scan3A_136 = arith.constant 25 : i32
      %scan3A_137 = arith.addi %scan3A_135, %scan3A_136 : i32
      %scan3A_138 = arith.constant 1 : i32
      %scan3A_139 = scf.for %scan3A_183 = %scan3A_135 to %scan3A_137 step %scan3A_138 iter_args(%scan3A_184 = %scan3A_134) -> (i32)  : i32 {
        %mul3A_185 = arith.constant 400 : i32
        %mul3A_186 = arith.muli %add3A_133, %mul3A_185 : i32
        %mul3A_187 = arith.constant 16 : i32
        %mul3A_188 = arith.muli %scan3A_183, %mul3A_187 : i32
        %add3A_189 = arith.addi %mul3A_186, %mul3A_188 : i32
        %get3A = arith.index_cast %add3A_189 : i32 to index
        %get3A_190 = tpu.vector_load %arg8[%get3A] {strides = array<i32>} : memref<10000xi32, #tpu.memory_space<vmem>>, vector<16xi32>,
        tpu.vector_store_idx %arg12[%get3A_190], %broadcast_in_dim3A_41 {add = true} : memref<10240xf32, #tpu.memory_space<vmem>>[vector<16xi32>], vector<16xf32>,
        %scan3A_191 = arith.constant 0 : i32
        scf.yield %scan3A_191 : i32
      }
      %scan3A_140 = arith.constant 25 : i32
      %dma_wait3A_141 = tpu.memref_slice %arg7[%mul3A_119] : memref<10000xi32, #tpu.memory_space<vmem>> -> memref<400xi32, #tpu.memory_space<vmem>>
      %dma_wait3A_142 = arith.constant 0 : i32
      %dma_wait3A_143 = arith.constant 0 : i32
      %dma_wait3A_144 = tpu.memref_slice %arg2[%dma_wait3A_142, %dma_wait3A_143] : memref<10000x64xf32, #tpu.memory_space<hbm>> -> memref<10000x64xf32, #tpu.memory_space<hbm>>
      tpu.wait_indirect_dma semaphore(%arg14 : memref<!tpu.dma_semaphore, #tpu.memory_space<semaphore_mem>>) src(%dma_wait3A_144 : memref<10000x64xf32, #tpu.memory_space<hbm>>) dst(%arg9 : memref<400x64xf32, #tpu.memory_space<vmem>>)
      %add3A_145 = arith.constant 0 : i32
      %add3A_146 = arith.addi %mul3A_115, %add3A_145 : i32
      %mul3A_147 = arith.constant 400 : i32
      %mul3A_148 = arith.muli %add3A_146, %mul3A_147 : i32
      %dma_start3A_149 = tpu.memref_slice %arg8[%mul3A_148] : memref<10000xi32, #tpu.memory_space<vmem>> -> memref<400xi32, #tpu.memory_space<vmem>>
      %dma_start3A_150 = arith.constant 0 : i32
      %dma_start3A_151 = arith.constant 0 : i32
      %dma_start3A_152 = tpu.memref_slice %arg13[%dma_start3A_150, %dma_start3A_151] : memref<10000x64xf32, #tpu.memory_space<vmem_shared>> -> memref<10000x64xf32, #tpu.memory_space<vmem_shared>>
      tpu.enqueue_indirect_dma source(%arg9 : memref<400x64xf32, #tpu.memory_space<vmem>>) target(%dma_start3A_152 : memref<10000x64xf32, #tpu.memory_space<vmem_shared>>) offsets(%dma_start3A_149 : memref<400xi32, #tpu.memory_space<vmem>>) semaphore(%arg16 : memref<!tpu.dma_semaphore, #tpu.memory_space<semaphore_mem>>) {add = true}
      %add3A_153 = arith.constant 1 : i32
      %add3A_154 = arith.addi %mul3A_115, %add3A_153 : i32
      %scan3A_155 = arith.constant 0 : i32
      %scan3A_156 = arith.constant 0 : i32
      %scan3A_157 = arith.constant 25 : i32
      %scan3A_158 = arith.addi %scan3A_156, %scan3A_157 : i32
      %scan3A_159 = arith.constant 1 : i32
      %scan3A_160 = scf.for %scan3A_183 = %scan3A_156 to %scan3A_158 step %scan3A_159 iter_args(%scan3A_184 = %scan3A_155) -> (i32)  : i32 {
        %mul3A_185 = arith.constant 400 : i32
        %mul3A_186 = arith.muli %add3A_154, %mul3A_185 : i32
        %mul3A_187 = arith.constant 16 : i32
        %mul3A_188 = arith.muli %scan3A_183, %mul3A_187 : i32
        %add3A_189 = arith.addi %mul3A_186, %mul3A_188 : i32
        %get3A = arith.index_cast %add3A_189 : i32 to index
        %get3A_190 = tpu.vector_load %arg8[%get3A] {strides = array<i32>} : memref<10000xi32, #tpu.memory_space<vmem>>, vector<16xi32>,
        tpu.vector_store_idx %arg12[%get3A_190], %broadcast_in_dim3A_41 {add = true} : memref<10240xf32, #tpu.memory_space<vmem>>[vector<16xi32>], vector<16xf32>,
        %scan3A_191 = arith.constant 0 : i32
        scf.yield %scan3A_191 : i32
      }
      %scan3A_161 = arith.constant 25 : i32
      %dma_wait3A_162 = tpu.memref_slice %arg7[%mul3A_127] : memref<10000xi32, #tpu.memory_space<vmem>> -> memref<400xi32, #tpu.memory_space<vmem>>
      %dma_wait3A_163 = arith.constant 0 : i32
      %dma_wait3A_164 = arith.constant 0 : i32
      %dma_wait3A_165 = tpu.memref_slice %arg2[%dma_wait3A_163, %dma_wait3A_164] : memref<10000x64xf32, #tpu.memory_space<hbm>> -> memref<10000x64xf32, #tpu.memory_space<hbm>>
      tpu.wait_indirect_dma semaphore(%arg15 : memref<!tpu.dma_semaphore, #tpu.memory_space<semaphore_mem>>) src(%dma_wait3A_165 : memref<10000x64xf32, #tpu.memory_space<hbm>>) dst(%arg10 : memref<400x64xf32, #tpu.memory_space<vmem>>)
      %add3A_166 = arith.constant 1 : i32
      %add3A_167 = arith.addi %mul3A_115, %add3A_166 : i32
      %mul3A_168 = arith.constant 400 : i32
      %mul3A_169 = arith.muli %add3A_167, %mul3A_168 : i32
      %dma_start3A_170 = tpu.memref_slice %arg8[%mul3A_169] : memref<10000xi32, #tpu.memory_space<vmem>> -> memref<400xi32, #tpu.memory_space<vmem>>
      %dma_start3A_171 = arith.constant 0 : i32
      %dma_start3A_172 = arith.constant 0 : i32
      %dma_start3A_173 = tpu.memref_slice %arg13[%dma_start3A_171, %dma_start3A_172] : memref<10000x64xf32, #tpu.memory_space<vmem_shared>> -> memref<10000x64xf32, #tpu.memory_space<vmem_shared>>
      tpu.enqueue_indirect_dma source(%arg10 : memref<400x64xf32, #tpu.memory_space<vmem>>) target(%dma_start3A_173 : memref<10000x64xf32, #tpu.memory_space<vmem_shared>>) offsets(%dma_start3A_170 : memref<400xi32, #tpu.memory_space<vmem>>) semaphore(%arg17 : memref<!tpu.dma_semaphore, #tpu.memory_space<semaphore_mem>>) {add = true}
      %dma_wait3A_174 = tpu.memref_slice %arg8[%mul3A_148] : memref<10000xi32, #tpu.memory_space<vmem>> -> memref<400xi32, #tpu.memory_space<vmem>>
      %dma_wait3A_175 = arith.constant 0 : i32
      %dma_wait3A_176 = arith.constant 0 : i32
      %dma_wait3A_177 = tpu.memref_slice %arg13[%dma_wait3A_175, %dma_wait3A_176] : memref<10000x64xf32, #tpu.memory_space<vmem_shared>> -> memref<10000x64xf32, #tpu.memory_space<vmem_shared>>
      tpu.wait_indirect_dma semaphore(%arg16 : memref<!tpu.dma_semaphore, #tpu.memory_space<semaphore_mem>>) src(%arg9 : memref<400x64xf32, #tpu.memory_space<vmem>>) dst(%dma_wait3A_177 : memref<10000x64xf32, #tpu.memory_space<vmem_shared>>)
      %dma_wait3A_178 = tpu.memref_slice %arg8[%mul3A_169] : memref<10000xi32, #tpu.memory_space<vmem>> -> memref<400xi32, #tpu.memory_space<vmem>>
      %dma_wait3A_179 = arith.constant 0 : i32
      %dma_wait3A_180 = arith.constant 0 : i32
      %dma_wait3A_181 = tpu.memref_slice %arg13[%dma_wait3A_179, %dma_wait3A_180] : memref<10000x64xf32, #tpu.memory_space<vmem_shared>> -> memref<10000x64xf32, #tpu.memory_space<vmem_shared>>
      tpu.wait_indirect_dma semaphore(%arg17 : memref<!tpu.dma_semaphore, #tpu.memory_space<semaphore_mem>>) src(%arg10 : memref<400x64xf32, #tpu.memory_space<vmem>>) dst(%dma_wait3A_181 : memref<10000x64xf32, #tpu.memory_space<vmem_shared>>)
      %scan3A_182 = arith.constant 0 : i32
      scf.yield %scan3A_182 : i32
    }
    %scan3A_48 = arith.constant 12 : i32
    %dma_start3A = arith.constant 9600 : i32
    %dma_start3A_49 = tpu.memref_slice %arg7[%dma_start3A] : memref<10000xi32, #tpu.memory_space<vmem>> -> memref<400xi32, #tpu.memory_space<vmem>>
    %dma_start3A_50 = arith.constant 0 : i32
    %dma_start3A_51 = arith.constant 0 : i32
    %dma_start3A_52 = tpu.memref_slice %arg2[%dma_start3A_50, %dma_start3A_51] : memref<10000x64xf32, #tpu.memory_space<hbm>> -> memref<10000x64xf32, #tpu.memory_space<hbm>>
    tpu.enqueue_indirect_dma source(%dma_start3A_52 : memref<10000x64xf32, #tpu.memory_space<hbm>>) target(%arg9 : memref<400x64xf32, #tpu.memory_space<vmem>>) offsets(%dma_start3A_49 : memref<400xi32, #tpu.memory_space<vmem>>) semaphore(%arg14 : memref<!tpu.dma_semaphore, #tpu.memory_space<semaphore_mem>>)
    %scan3A_53 = arith.constant 0 : i32
    %scan3A_54 = arith.constant 0 : i32
    %scan3A_55 = arith.constant 25 : i32
    %scan3A_56 = arith.addi %scan3A_54, %scan3A_55 : i32
    %scan3A_57 = arith.constant 1 : i32
    %scan3A_58 = scf.for %scan3A_112 = %scan3A_54 to %scan3A_56 step %scan3A_57 iter_args(%scan3A_113 = %scan3A_53) -> (i32)  : i32 {
      %mul3A_114 = arith.constant 16 : i32
      %mul3A_115 = arith.muli %scan3A_112, %mul3A_114 : i32
      %add3A_116 = arith.constant 9600 : i32
      %add3A_117 = arith.addi %add3A_116, %mul3A_115 : i32
      %get3A = arith.index_cast %add3A_117 : i32 to index
      %get3A_118 = tpu.vector_load %arg8[%get3A] {strides = array<i32>} : memref<10000xi32, #tpu.memory_space<vmem>>, vector<16xi32>,
      tpu.vector_store_idx %arg12[%get3A_118], %broadcast_in_dim3A_41 {add = true} : memref<10240xf32, #tpu.memory_space<vmem>>[vector<16xi32>], vector<16xf32>,
      %scan3A_119 = arith.constant 0 : i32
      scf.yield %scan3A_119 : i32
    }
    %scan3A_59 = arith.constant 25 : i32
    %dma_wait3A = arith.constant 9600 : i32
    %dma_wait3A_60 = tpu.memref_slice %arg7[%dma_wait3A] : memref<10000xi32, #tpu.memory_space<vmem>> -> memref<400xi32, #tpu.memory_space<vmem>>
    %dma_wait3A_61 = arith.constant 0 : i32
    %dma_wait3A_62 = arith.constant 0 : i32
    %dma_wait3A_63 = tpu.memref_slice %arg2[%dma_wait3A_61, %dma_wait3A_62] : memref<10000x64xf32, #tpu.memory_space<hbm>> -> memref<10000x64xf32, #tpu.memory_space<hbm>>
    tpu.wait_indirect_dma semaphore(%arg14 : memref<!tpu.dma_semaphore, #tpu.memory_space<semaphore_mem>>) src(%dma_wait3A_63 : memref<10000x64xf32, #tpu.memory_space<hbm>>) dst(%arg9 : memref<400x64xf32, #tpu.memory_space<vmem>>)
    "tpu.region"() ({
      %run_scoped3A_112 = tpu.sem_alloc : memref<!tpu.dma_semaphore, #tpu.memory_space<semaphore_mem>>
      %dma_start3A_113 = arith.constant 9600 : i32
      %dma_start3A_114 = tpu.memref_slice %arg8[%dma_start3A_113] : memref<10000xi32, #tpu.memory_space<vmem>> -> memref<400xi32, #tpu.memory_space<vmem>>
      %dma_start3A_115 = arith.constant 0 : i32
      %dma_start3A_116 = arith.constant 0 : i32
      %dma_start3A_117 = tpu.memref_slice %arg13[%dma_start3A_115, %dma_start3A_116] : memref<10000x64xf32, #tpu.memory_space<vmem_shared>> -> memref<10000x64xf32, #tpu.memory_space<vmem_shared>>
      tpu.enqueue_indirect_dma source(%arg9 : memref<400x64xf32, #tpu.memory_space<vmem>>) target(%dma_start3A_117 : memref<10000x64xf32, #tpu.memory_space<vmem_shared>>) offsets(%dma_start3A_114 : memref<400xi32, #tpu.memory_space<vmem>>) semaphore(%run_scoped3A_112 : memref<!tpu.dma_semaphore, #tpu.memory_space<semaphore_mem>>) {add = true}
      %dma_wait3A_118 = arith.constant 9600 : i32
      %dma_wait3A_119 = tpu.memref_slice %arg8[%dma_wait3A_118] : memref<10000xi32, #tpu.memory_space<vmem>> -> memref<400xi32, #tpu.memory_space<vmem>>
      %dma_wait3A_120 = arith.constant 0 : i32
      %dma_wait3A_121 = arith.constant 0 : i32
      %dma_wait3A_122 = tpu.memref_slice %arg13[%dma_wait3A_120, %dma_wait3A_121] : memref<10000x64xf32, #tpu.memory_space<vmem_shared>> -> memref<10000x64xf32, #tpu.memory_space<vmem_shared>>
      tpu.wait_indirect_dma semaphore(%run_scoped3A_112 : memref<!tpu.dma_semaphore, #tpu.memory_space<semaphore_mem>>) src(%arg9 : memref<400x64xf32, #tpu.memory_space<vmem>>) dst(%dma_wait3A_122 : memref<10000x64xf32, #tpu.memory_space<vmem_shared>>)
      tpu.yield
    }) : () -> ()
    %barrier3A_64 = arith.constant 0 : index
    tpu.barrier barrier_id(%barrier3A_64)
    %mul3A_65 = arith.constant 625 : i32
    %mul3A_66 = arith.muli %arg1, %mul3A_65 : i32
    %mul3A_67 = arith.constant 625 : i32
    %mul3A_68 = arith.muli %arg1, %mul3A_67 : i32
    "tpu.region"() ({
      %run_scoped3A_112 = tpu.sem_alloc : memref<!tpu.dma_semaphore, #tpu.memory_space<semaphore_mem>>
      %dma_start3A_113 = arith.constant 0 : i32
      %dma_start3A_114 = tpu.memref_slice %arg5[%arg0, %mul3A_68, %dma_start3A_113] : memref<2x10000x128xf32, #tpu.memory_space<hbm>> -> memref<1x625x64xf32, #tpu.memory_space<hbm>>
      %dma_start3A_115 = tpu.memref_squeeze %dma_start3A_114 : memref<1x625x64xf32, #tpu.memory_space<hbm>> -> memref<625x64xf32, #tpu.memory_space<hbm>>
      %dma_start3A_116 = arith.constant 0 : i32
      %dma_start3A_117 = tpu.memref_slice %arg13[%mul3A_66, %dma_start3A_116] : memref<10000x64xf32, #tpu.memory_space<vmem_shared>> -> memref<625x64xf32, #tpu.memory_space<vmem_shared>>
      tpu.enqueue_dma source(%dma_start3A_117 : memref<625x64xf32, #tpu.memory_space<vmem_shared>>) target(%dma_start3A_115 : memref<625x64xf32, #tpu.memory_space<hbm>>) target_semaphore(%run_scoped3A_112 : memref<!tpu.dma_semaphore, #tpu.memory_space<semaphore_mem>>)
      %dma_wait3A_118 = arith.constant 0 : i32
      %dma_wait3A_119 = tpu.memref_slice %arg5[%arg0, %mul3A_68, %dma_wait3A_118] : memref<2x10000x128xf32, #tpu.memory_space<hbm>> -> memref<1x625x64xf32, #tpu.memory_space<hbm>>
      %dma_wait3A_120 = tpu.memref_squeeze %dma_wait3A_119 : memref<1x625x64xf32, #tpu.memory_space<hbm>> -> memref<625x64xf32, #tpu.memory_space<hbm>>
      %dma_wait3A_121 = arith.constant 0 : i32
      %dma_wait3A_122 = tpu.memref_slice %arg13[%mul3A_66, %dma_wait3A_121] : memref<10000x64xf32, #tpu.memory_space<vmem_shared>> -> memref<625x64xf32, #tpu.memory_space<vmem_shared>>
      tpu.wait_dma2 semaphore(%run_scoped3A_112 : memref<!tpu.dma_semaphore, #tpu.memory_space<semaphore_mem>>) src(%dma_wait3A_122 : memref<625x64xf32, #tpu.memory_space<vmem_shared>>) dst(%dma_wait3A_120 : memref<625x64xf32, #tpu.memory_space<hbm>>)
      tpu.yield
    }) : () -> ()
    %mul3A_69 = arith.constant 625 : i32
    %mul3A_70 = arith.muli %arg1, %mul3A_69 : i32
    %add3A_71 = arith.constant 0 : i32
    %add3A_72 = arith.addi %mul3A_70, %add3A_71 : i32
    "tpu.region"() ({
      %run_scoped3A_112 = tpu.sem_alloc : memref<!tpu.dma_semaphore, #tpu.memory_space<semaphore_mem>>
      %dma_start3A_113 = arith.constant 0 : i32
      %dma_start3A_114 = tpu.memref_slice %arg13[%add3A_72, %dma_start3A_113] : memref<10000x64xf32, #tpu.memory_space<vmem_shared>> -> memref<125x64xf32, #tpu.memory_space<vmem_shared>>
      %dma_start3A_115 = arith.constant 0 : i32
      %dma_start3A_116 = tpu.memref_slice %arg13[%add3A_72, %dma_start3A_115] : memref<10000x64xf32, #tpu.memory_space<vmem_shared>> -> memref<125x64xf32, #tpu.memory_space<vmem_shared>>
      tpu.enqueue_dma source(%arg11 : memref<125x64xf32, #tpu.memory_space<vmem>>) target(%dma_start3A_116 : memref<125x64xf32, #tpu.memory_space<vmem_shared>>) target_semaphore(%run_scoped3A_112 : memref<!tpu.dma_semaphore, #tpu.memory_space<semaphore_mem>>)
      %dma_wait3A_117 = arith.constant 0 : i32
      %dma_wait3A_118 = tpu.memref_slice %arg13[%add3A_72, %dma_wait3A_117] : memref<10000x64xf32, #tpu.memory_space<vmem_shared>> -> memref<125x64xf32, #tpu.memory_space<vmem_shared>>
      %dma_wait3A_119 = arith.constant 0 : i32
      %dma_wait3A_120 = tpu.memref_slice %arg13[%add3A_72, %dma_wait3A_119] : memref<10000x64xf32, #tpu.memory_space<vmem_shared>> -> memref<125x64xf32, #tpu.memory_space<vmem_shared>>
      tpu.wait_dma2 semaphore(%run_scoped3A_112 : memref<!tpu.dma_semaphore, #tpu.memory_space<semaphore_mem>>) src(%arg11 : memref<125x64xf32, #tpu.memory_space<vmem>>) dst(%dma_wait3A_120 : memref<125x64xf32, #tpu.memory_space<vmem_shared>>)
      tpu.yield
    }) : () -> ()
    %mul3A_73 = arith.constant 625 : i32
    %mul3A_74 = arith.muli %arg1, %mul3A_73 : i32
    %add3A_75 = arith.constant 125 : i32
    %add3A_76 = arith.addi %mul3A_74, %add3A_75 : i32
    "tpu.region"() ({
      %run_scoped3A_112 = tpu.sem_alloc : memref<!tpu.dma_semaphore, #tpu.memory_space<semaphore_mem>>
      %dma_start3A_113 = arith.constant 0 : i32
      %dma_start3A_114 = tpu.memref_slice %arg13[%add3A_76, %dma_start3A_113] : memref<10000x64xf32, #tpu.memory_space<vmem_shared>> -> memref<125x64xf32, #tpu.memory_space<vmem_shared>>
      %dma_start3A_115 = arith.constant 0 : i32
      %dma_start3A_116 = tpu.memref_slice %arg13[%add3A_76, %dma_start3A_115] : memref<10000x64xf32, #tpu.memory_space<vmem_shared>> -> memref<125x64xf32, #tpu.memory_space<vmem_shared>>
      tpu.enqueue_dma source(%arg11 : memref<125x64xf32, #tpu.memory_space<vmem>>) target(%dma_start3A_116 : memref<125x64xf32, #tpu.memory_space<vmem_shared>>) target_semaphore(%run_scoped3A_112 : memref<!tpu.dma_semaphore, #tpu.memory_space<semaphore_mem>>)
      %dma_wait3A_117 = arith.constant 0 : i32
      %dma_wait3A_118 = tpu.memref_slice %arg13[%add3A_76, %dma_wait3A_117] : memref<10000x64xf32, #tpu.memory_space<vmem_shared>> -> memref<125x64xf32, #tpu.memory_space<vmem_shared>>
      %dma_wait3A_119 = arith.constant 0 : i32
      %dma_wait3A_120 = tpu.memref_slice %arg13[%add3A_76, %dma_wait3A_119] : memref<10000x64xf32, #tpu.memory_space<vmem_shared>> -> memref<125x64xf32, #tpu.memory_space<vmem_shared>>
      tpu.wait_dma2 semaphore(%run_scoped3A_112 : memref<!tpu.dma_semaphore, #tpu.memory_space<semaphore_mem>>) src(%arg11 : memref<125x64xf32, #tpu.memory_space<vmem>>) dst(%dma_wait3A_120 : memref<125x64xf32, #tpu.memory_space<vmem_shared>>)
      tpu.yield
    }) : () -> ()
    %mul3A_77 = arith.constant 625 : i32
    %mul3A_78 = arith.muli %arg1, %mul3A_77 : i32
    %add3A_79 = arith.constant 250 : i32
    %add3A_80 = arith.addi %mul3A_78, %add3A_79 : i32
    "tpu.region"() ({
      %run_scoped3A_112 = tpu.sem_alloc : memref<!tpu.dma_semaphore, #tpu.memory_space<semaphore_mem>>
      %dma_start3A_113 = arith.constant 0 : i32
      %dma_start3A_114 = tpu.memref_slice %arg13[%add3A_80, %dma_start3A_113] : memref<10000x64xf32, #tpu.memory_space<vmem_shared>> -> memref<125x64xf32, #tpu.memory_space<vmem_shared>>
      %dma_start3A_115 = arith.constant 0 : i32
      %dma_start3A_116 = tpu.memref_slice %arg13[%add3A_80, %dma_start3A_115] : memref<10000x64xf32, #tpu.memory_space<vmem_shared>> -> memref<125x64xf32, #tpu.memory_space<vmem_shared>>
      tpu.enqueue_dma source(%arg11 : memref<125x64xf32, #tpu.memory_space<vmem>>) target(%dma_start3A_116 : memref<125x64xf32, #tpu.memory_space<vmem_shared>>) target_semaphore(%run_scoped3A_112 : memref<!tpu.dma_semaphore, #tpu.memory_space<semaphore_mem>>)
      %dma_wait3A_117 = arith.constant 0 : i32
      %dma_wait3A_118 = tpu.memref_slice %arg13[%add3A_80, %dma_wait3A_117] : memref<10000x64xf32, #tpu.memory_space<vmem_shared>> -> memref<125x64xf32, #tpu.memory_space<vmem_shared>>
      %dma_wait3A_119 = arith.constant 0 : i32
      %dma_wait3A_120 = tpu.memref_slice %arg13[%add3A_80, %dma_wait3A_119] : memref<10000x64xf32, #tpu.memory_space<vmem_shared>> -> memref<125x64xf32, #tpu.memory_space<vmem_shared>>
      tpu.wait_dma2 semaphore(%run_scoped3A_112 : memref<!tpu.dma_semaphore, #tpu.memory_space<semaphore_mem>>) src(%arg11 : memref<125x64xf32, #tpu.memory_space<vmem>>) dst(%dma_wait3A_120 : memref<125x64xf32, #tpu.memory_space<vmem_shared>>)
      tpu.yield
    }) : () -> ()
    %mul3A_81 = arith.constant 625 : i32
    %mul3A_82 = arith.muli %arg1, %mul3A_81 : i32
    %add3A_83 = arith.constant 375 : i32
    %add3A_84 = arith.addi %mul3A_82, %add3A_83 : i32
    "tpu.region"() ({
      %run_scoped3A_112 = tpu.sem_alloc : memref<!tpu.dma_semaphore, #tpu.memory_space<semaphore_mem>>
      %dma_start3A_113 = arith.constant 0 : i32
      %dma_start3A_114 = tpu.memref_slice %arg13[%add3A_84, %dma_start3A_113] : memref<10000x64xf32, #tpu.memory_space<vmem_shared>> -> memref<125x64xf32, #tpu.memory_space<vmem_shared>>
      %dma_start3A_115 = arith.constant 0 : i32
      %dma_start3A_116 = tpu.memref_slice %arg13[%add3A_84, %dma_start3A_115] : memref<10000x64xf32, #tpu.memory_space<vmem_shared>> -> memref<125x64xf32, #tpu.memory_space<vmem_shared>>
      tpu.enqueue_dma source(%arg11 : memref<125x64xf32, #tpu.memory_space<vmem>>) target(%dma_start3A_116 : memref<125x64xf32, #tpu.memory_space<vmem_shared>>) target_semaphore(%run_scoped3A_112 : memref<!tpu.dma_semaphore, #tpu.memory_space<semaphore_mem>>)
      %dma_wait3A_117 = arith.constant 0 : i32
      %dma_wait3A_118 = tpu.memref_slice %arg13[%add3A_84, %dma_wait3A_117] : memref<10000x64xf32, #tpu.memory_space<vmem_shared>> -> memref<125x64xf32, #tpu.memory_space<vmem_shared>>
      %dma_wait3A_119 = arith.constant 0 : i32
      %dma_wait3A_120 = tpu.memref_slice %arg13[%add3A_84, %dma_wait3A_119] : memref<10000x64xf32, #tpu.memory_space<vmem_shared>> -> memref<125x64xf32, #tpu.memory_space<vmem_shared>>
      tpu.wait_dma2 semaphore(%run_scoped3A_112 : memref<!tpu.dma_semaphore, #tpu.memory_space<semaphore_mem>>) src(%arg11 : memref<125x64xf32, #tpu.memory_space<vmem>>) dst(%dma_wait3A_120 : memref<125x64xf32, #tpu.memory_space<vmem_shared>>)
      tpu.yield
    }) : () -> ()
    %mul3A_85 = arith.constant 625 : i32
    %mul3A_86 = arith.muli %arg1, %mul3A_85 : i32
    %add3A_87 = arith.constant 500 : i32
    %add3A_88 = arith.addi %mul3A_86, %add3A_87 : i32
    "tpu.region"() ({
      %run_scoped3A_112 = tpu.sem_alloc : memref<!tpu.dma_semaphore, #tpu.memory_space<semaphore_mem>>
      %dma_start3A_113 = arith.constant 0 : i32
      %dma_start3A_114 = tpu.memref_slice %arg13[%add3A_88, %dma_start3A_113] : memref<10000x64xf32, #tpu.memory_space<vmem_shared>> -> memref<125x64xf32, #tpu.memory_space<vmem_shared>>
      %dma_start3A_115 = arith.constant 0 : i32
      %dma_start3A_116 = tpu.memref_slice %arg13[%add3A_88, %dma_start3A_115] : memref<10000x64xf32, #tpu.memory_space<vmem_shared>> -> memref<125x64xf32, #tpu.memory_space<vmem_shared>>
      tpu.enqueue_dma source(%arg11 : memref<125x64xf32, #tpu.memory_space<vmem>>) target(%dma_start3A_116 : memref<125x64xf32, #tpu.memory_space<vmem_shared>>) target_semaphore(%run_scoped3A_112 : memref<!tpu.dma_semaphore, #tpu.memory_space<semaphore_mem>>)
      %dma_wait3A_117 = arith.constant 0 : i32
      %dma_wait3A_118 = tpu.memref_slice %arg13[%add3A_88, %dma_wait3A_117] : memref<10000x64xf32, #tpu.memory_space<vmem_shared>> -> memref<125x64xf32, #tpu.memory_space<vmem_shared>>
      %dma_wait3A_119 = arith.constant 0 : i32
      %dma_wait3A_120 = tpu.memref_slice %arg13[%add3A_88, %dma_wait3A_119] : memref<10000x64xf32, #tpu.memory_space<vmem_shared>> -> memref<125x64xf32, #tpu.memory_space<vmem_shared>>
      tpu.wait_dma2 semaphore(%run_scoped3A_112 : memref<!tpu.dma_semaphore, #tpu.memory_space<semaphore_mem>>) src(%arg11 : memref<125x64xf32, #tpu.memory_space<vmem>>) dst(%dma_wait3A_120 : memref<125x64xf32, #tpu.memory_space<vmem_shared>>)
      tpu.yield
    }) : () -> ()
    "tpu.region"() ({
      %run_scoped3A_112 = tpu.sem_alloc : memref<!tpu.dma_semaphore, #tpu.memory_space<semaphore_mem>>
      %dma_start3A_113 = arith.constant 0 : i32
      %dma_start3A_114 = tpu.memref_slice %arg6[%add3A_34, %dma_start3A_113] : memref<32x10240xf32, #tpu.memory_space<hbm>> -> memref<1x10240xf32, #tpu.memory_space<hbm>>
      %dma_start3A_115 = tpu.memref_squeeze %dma_start3A_114 : memref<1x10240xf32, #tpu.memory_space<hbm>> -> memref<10240xf32, #tpu.memory_space<hbm>>
      %dma_start3A_116 = arith.constant 0 : i32
      %dma_start3A_117 = tpu.memref_slice %arg6[%add3A_34, %dma_start3A_116] : memref<32x10240xf32, #tpu.memory_space<hbm>> -> memref<1x10240xf32, #tpu.memory_space<hbm>>
      %dma_start3A_118 = tpu.memref_squeeze %dma_start3A_117 : memref<1x10240xf32, #tpu.memory_space<hbm>> -> memref<10240xf32, #tpu.memory_space<hbm>>
      tpu.enqueue_dma source(%arg12 : memref<10240xf32, #tpu.memory_space<vmem>>) target(%dma_start3A_118 : memref<10240xf32, #tpu.memory_space<hbm>>) target_semaphore(%run_scoped3A_112 : memref<!tpu.dma_semaphore, #tpu.memory_space<semaphore_mem>>)
      %dma_wait3A_119 = arith.constant 0 : i32
      %dma_wait3A_120 = tpu.memref_slice %arg6[%add3A_34, %dma_wait3A_119] : memref<32x10240xf32, #tpu.memory_space<hbm>> -> memref<1x10240xf32, #tpu.memory_space<hbm>>
      %dma_wait3A_121 = tpu.memref_squeeze %dma_wait3A_120 : memref<1x10240xf32, #tpu.memory_space<hbm>> -> memref<10240xf32, #tpu.memory_space<hbm>>
      %dma_wait3A_122 = arith.constant 0 : i32
      %dma_wait3A_123 = tpu.memref_slice %arg6[%add3A_34, %dma_wait3A_122] : memref<32x10240xf32, #tpu.memory_space<hbm>> -> memref<1x10240xf32, #tpu.memory_space<hbm>>
      %dma_wait3A_124 = tpu.memref_squeeze %dma_wait3A_123 : memref<1x10240xf32, #tpu.memory_space<hbm>> -> memref<10240xf32, #tpu.memory_space<hbm>>
      tpu.wait_dma2 semaphore(%run_scoped3A_112 : memref<!tpu.dma_semaphore, #tpu.memory_space<semaphore_mem>>) src(%arg12 : memref<10240xf32, #tpu.memory_space<vmem>>) dst(%dma_wait3A_124 : memref<10240xf32, #tpu.memory_space<hbm>>)
      tpu.yield
    }) : () -> ()
    %barrier3A_89 = arith.constant 0 : index
    tpu.barrier barrier_id(%barrier3A_89)
    %scan3A_90 = arith.constant 0 : i32
    %scan3A_91 = arith.constant 0 : i32
    %scan3A_92 = arith.constant 12 : i32
    %scan3A_93 = arith.addi %scan3A_91, %scan3A_92 : i32
    %scan3A_94 = arith.constant 1 : i32
    %scan3A_95 = scf.for %scan3A_112 = %scan3A_91 to %scan3A_93 step %scan3A_94 iter_args(%scan3A_113 = %scan3A_90) -> (i32)  : i32 {
      %mul3A_114 = arith.constant 2 : i32
      %mul3A_115 = arith.muli %mul3A_114, %scan3A_112 : i32
      %add3A_116 = arith.constant 0 : i32
      %add3A_117 = arith.addi %mul3A_115, %add3A_116 : i32
      %mul3A_118 = arith.constant 400 : i32
      %mul3A_119 = arith.muli %add3A_117, %mul3A_118 : i32
      %dma_start3A_120 = tpu.memref_slice %arg7[%mul3A_119] : memref<10000xi32, #tpu.memory_space<vmem>> -> memref<400xi32, #tpu.memory_space<vmem>>
      %dma_start3A_121 = arith.constant 0 : i32
      %dma_start3A_122 = arith.constant 0 : i32
      %dma_start3A_123 = tpu.memref_slice %arg3[%dma_start3A_121, %dma_start3A_122] : memref<10000x64xf32, #tpu.memory_space<hbm>> -> memref<10000x64xf32, #tpu.memory_space<hbm>>
      tpu.enqueue_indirect_dma source(%dma_start3A_123 : memref<10000x64xf32, #tpu.memory_space<hbm>>) target(%arg9 : memref<400x64xf32, #tpu.memory_space<vmem>>) offsets(%dma_start3A_120 : memref<400xi32, #tpu.memory_space<vmem>>) semaphore(%arg14 : memref<!tpu.dma_semaphore, #tpu.memory_space<semaphore_mem>>)
      %add3A_124 = arith.constant 1 : i32
      %add3A_125 = arith.addi %mul3A_115, %add3A_124 : i32
      %mul3A_126 = arith.constant 400 : i32
      %mul3A_127 = arith.muli %add3A_125, %mul3A_126 : i32
      %dma_start3A_128 = tpu.memref_slice %arg7[%mul3A_127] : memref<10000xi32, #tpu.memory_space<vmem>> -> memref<400xi32, #tpu.memory_space<vmem>>
      %dma_start3A_129 = arith.constant 0 : i32
      %dma_start3A_130 = arith.constant 0 : i32
      %dma_start3A_131 = tpu.memref_slice %arg3[%dma_start3A_129, %dma_start3A_130] : memref<10000x64xf32, #tpu.memory_space<hbm>> -> memref<10000x64xf32, #tpu.memory_space<hbm>>
      tpu.enqueue_indirect_dma source(%dma_start3A_131 : memref<10000x64xf32, #tpu.memory_space<hbm>>) target(%arg10 : memref<400x64xf32, #tpu.memory_space<vmem>>) offsets(%dma_start3A_128 : memref<400xi32, #tpu.memory_space<vmem>>) semaphore(%arg15 : memref<!tpu.dma_semaphore, #tpu.memory_space<semaphore_mem>>)
      %dma_wait3A_132 = tpu.memref_slice %arg7[%mul3A_119] : memref<10000xi32, #tpu.memory_space<vmem>> -> memref<400xi32, #tpu.memory_space<vmem>>
      %dma_wait3A_133 = arith.constant 0 : i32
      %dma_wait3A_134 = arith.constant 0 : i32
      %dma_wait3A_135 = tpu.memref_slice %arg3[%dma_wait3A_133, %dma_wait3A_134] : memref<10000x64xf32, #tpu.memory_space<hbm>> -> memref<10000x64xf32, #tpu.memory_space<hbm>>
      tpu.wait_indirect_dma semaphore(%arg14 : memref<!tpu.dma_semaphore, #tpu.memory_space<semaphore_mem>>) src(%dma_wait3A_135 : memref<10000x64xf32, #tpu.memory_space<hbm>>) dst(%arg9 : memref<400x64xf32, #tpu.memory_space<vmem>>)
      %add3A_136 = arith.constant 0 : i32
      %add3A_137 = arith.addi %mul3A_115, %add3A_136 : i32
      %mul3A_138 = arith.constant 400 : i32
      %mul3A_139 = arith.muli %add3A_137, %mul3A_138 : i32
      %dma_start3A_140 = tpu.memref_slice %arg8[%mul3A_139] : memref<10000xi32, #tpu.memory_space<vmem>> -> memref<400xi32, #tpu.memory_space<vmem>>
      %dma_start3A_141 = arith.constant 0 : i32
      %dma_start3A_142 = arith.constant 0 : i32
      %dma_start3A_143 = tpu.memref_slice %arg13[%dma_start3A_141, %dma_start3A_142] : memref<10000x64xf32, #tpu.memory_space<vmem_shared>> -> memref<10000x64xf32, #tpu.memory_space<vmem_shared>>
      tpu.enqueue_indirect_dma source(%arg9 : memref<400x64xf32, #tpu.memory_space<vmem>>) target(%dma_start3A_143 : memref<10000x64xf32, #tpu.memory_space<vmem_shared>>) offsets(%dma_start3A_140 : memref<400xi32, #tpu.memory_space<vmem>>) semaphore(%arg16 : memref<!tpu.dma_semaphore, #tpu.memory_space<semaphore_mem>>) {add = true}
      %dma_wait3A_144 = tpu.memref_slice %arg7[%mul3A_127] : memref<10000xi32, #tpu.memory_space<vmem>> -> memref<400xi32, #tpu.memory_space<vmem>>
      %dma_wait3A_145 = arith.constant 0 : i32
      %dma_wait3A_146 = arith.constant 0 : i32
      %dma_wait3A_147 = tpu.memref_slice %arg3[%dma_wait3A_145, %dma_wait3A_146] : memref<10000x64xf32, #tpu.memory_space<hbm>> -> memref<10000x64xf32, #tpu.memory_space<hbm>>
      tpu.wait_indirect_dma semaphore(%arg15 : memref<!tpu.dma_semaphore, #tpu.memory_space<semaphore_mem>>) src(%dma_wait3A_147 : memref<10000x64xf32, #tpu.memory_space<hbm>>) dst(%arg10 : memref<400x64xf32, #tpu.memory_space<vmem>>)
      %add3A_148 = arith.constant 1 : i32
      %add3A_149 = arith.addi %mul3A_115, %add3A_148 : i32
      %mul3A_150 = arith.constant 400 : i32
      %mul3A_151 = arith.muli %add3A_149, %mul3A_150 : i32
      %dma_start3A_152 = tpu.memref_slice %arg8[%mul3A_151] : memref<10000xi32, #tpu.memory_space<vmem>> -> memref<400xi32, #tpu.memory_space<vmem>>
      %dma_start3A_153 = arith.constant 0 : i32
      %dma_start3A_154 = arith.constant 0 : i32
      %dma_start3A_155 = tpu.memref_slice %arg13[%dma_start3A_153, %dma_start3A_154] : memref<10000x64xf32, #tpu.memory_space<vmem_shared>> -> memref<10000x64xf32, #tpu.memory_space<vmem_shared>>
      tpu.enqueue_indirect_dma source(%arg10 : memref<400x64xf32, #tpu.memory_space<vmem>>) target(%dma_start3A_155 : memref<10000x64xf32, #tpu.memory_space<vmem_shared>>) offsets(%dma_start3A_152 : memref<400xi32, #tpu.memory_space<vmem>>) semaphore(%arg17 : memref<!tpu.dma_semaphore, #tpu.memory_space<semaphore_mem>>) {add = true}
      %dma_wait3A_156 = tpu.memref_slice %arg8[%mul3A_139] : memref<10000xi32, #tpu.memory_space<vmem>> -> memref<400xi32, #tpu.memory_space<vmem>>
      %dma_wait3A_157 = arith.constant 0 : i32
      %dma_wait3A_158 = arith.constant 0 : i32
      %dma_wait3A_159 = tpu.memref_slice %arg13[%dma_wait3A_157, %dma_wait3A_158] : memref<10000x64xf32, #tpu.memory_space<vmem_shared>> -> memref<10000x64xf32, #tpu.memory_space<vmem_shared>>
      tpu.wait_indirect_dma semaphore(%arg16 : memref<!tpu.dma_semaphore, #tpu.memory_space<semaphore_mem>>) src(%arg9 : memref<400x64xf32, #tpu.memory_space<vmem>>) dst(%dma_wait3A_159 : memref<10000x64xf32, #tpu.memory_space<vmem_shared>>)
      %dma_wait3A_160 = tpu.memref_slice %arg8[%mul3A_151] : memref<10000xi32, #tpu.memory_space<vmem>> -> memref<400xi32, #tpu.memory_space<vmem>>
      %dma_wait3A_161 = arith.constant 0 : i32
      %dma_wait3A_162 = arith.constant 0 : i32
      %dma_wait3A_163 = tpu.memref_slice %arg13[%dma_wait3A_161, %dma_wait3A_162] : memref<10000x64xf32, #tpu.memory_space<vmem_shared>> -> memref<10000x64xf32, #tpu.memory_space<vmem_shared>>
      tpu.wait_indirect_dma semaphore(%arg17 : memref<!tpu.dma_semaphore, #tpu.memory_space<semaphore_mem>>) src(%arg10 : memref<400x64xf32, #tpu.memory_space<vmem>>) dst(%dma_wait3A_163 : memref<10000x64xf32, #tpu.memory_space<vmem_shared>>)
      %scan3A_164 = arith.constant 0 : i32
      scf.yield %scan3A_164 : i32
    }
    %scan3A_96 = arith.constant 12 : i32
    %dma_start3A_97 = arith.constant 9600 : i32
    %dma_start3A_98 = tpu.memref_slice %arg7[%dma_start3A_97] : memref<10000xi32, #tpu.memory_space<vmem>> -> memref<400xi32, #tpu.memory_space<vmem>>
    %dma_start3A_99 = arith.constant 0 : i32
    %dma_start3A_100 = arith.constant 0 : i32
    %dma_start3A_101 = tpu.memref_slice %arg3[%dma_start3A_99, %dma_start3A_100] : memref<10000x64xf32, #tpu.memory_space<hbm>> -> memref<10000x64xf32, #tpu.memory_space<hbm>>
    tpu.enqueue_indirect_dma source(%dma_start3A_101 : memref<10000x64xf32, #tpu.memory_space<hbm>>) target(%arg9 : memref<400x64xf32, #tpu.memory_space<vmem>>) offsets(%dma_start3A_98 : memref<400xi32, #tpu.memory_space<vmem>>) semaphore(%arg14 : memref<!tpu.dma_semaphore, #tpu.memory_space<semaphore_mem>>)
    %dma_wait3A_102 = arith.constant 9600 : i32
    %dma_wait3A_103 = tpu.memref_slice %arg7[%dma_wait3A_102] : memref<10000xi32, #tpu.memory_space<vmem>> -> memref<400xi32, #tpu.memory_space<vmem>>
    %dma_wait3A_104 = arith.constant 0 : i32
    %dma_wait3A_105 = arith.constant 0 : i32
    %dma_wait3A_106 = tpu.memref_slice %arg3[%dma_wait3A_104, %dma_wait3A_105] : memref<10000x64xf32, #tpu.memory_space<hbm>> -> memref<10000x64xf32, #tpu.memory_space<hbm>>
    tpu.wait_indirect_dma semaphore(%arg14 : memref<!tpu.dma_semaphore, #tpu.memory_space<semaphore_mem>>) src(%dma_wait3A_106 : memref<10000x64xf32, #tpu.memory_space<hbm>>) dst(%arg9 : memref<400x64xf32, #tpu.memory_space<vmem>>)
    "tpu.region"() ({
      %run_scoped3A_112 = tpu.sem_alloc : memref<!tpu.dma_semaphore, #tpu.memory_space<semaphore_mem>>
      %dma_start3A_113 = arith.constant 9600 : i32
      %dma_start3A_114 = tpu.memref_slice %arg8[%dma_start3A_113] : memref<10000xi32, #tpu.memory_space<vmem>> -> memref<400xi32, #tpu.memory_space<vmem>>
      %dma_start3A_115 = arith.constant 0 : i32
      %dma_start3A_116 = arith.constant 0 : i32
      %dma_start3A_117 = tpu.memref_slice %arg13[%dma_start3A_115, %dma_start3A_116] : memref<10000x64xf32, #tpu.memory_space<vmem_shared>> -> memref<10000x64xf32, #tpu.memory_space<vmem_shared>>
      tpu.enqueue_indirect_dma source(%arg9 : memref<400x64xf32, #tpu.memory_space<vmem>>) target(%dma_start3A_117 : memref<10000x64xf32, #tpu.memory_space<vmem_shared>>) offsets(%dma_start3A_114 : memref<400xi32, #tpu.memory_space<vmem>>) semaphore(%run_scoped3A_112 : memref<!tpu.dma_semaphore, #tpu.memory_space<semaphore_mem>>) {add = true}
      %dma_wait3A_118 = arith.constant 9600 : i32
      %dma_wait3A_119 = tpu.memref_slice %arg8[%dma_wait3A_118] : memref<10000xi32, #tpu.memory_space<vmem>> -> memref<400xi32, #tpu.memory_space<vmem>>
      %dma_wait3A_120 = arith.constant 0 : i32
      %dma_wait3A_121 = arith.constant 0 : i32
      %dma_wait3A_122 = tpu.memref_slice %arg13[%dma_wait3A_120, %dma_wait3A_121] : memref<10000x64xf32, #tpu.memory_space<vmem_shared>> -> memref<10000x64xf32, #tpu.memory_space<vmem_shared>>
      tpu.wait_indirect_dma semaphore(%run_scoped3A_112 : memref<!tpu.dma_semaphore, #tpu.memory_space<semaphore_mem>>) src(%arg9 : memref<400x64xf32, #tpu.memory_space<vmem>>) dst(%dma_wait3A_122 : memref<10000x64xf32, #tpu.memory_space<vmem_shared>>)
      tpu.yield
    }) : () -> ()
    %barrier3A_107 = arith.constant 0 : index
    tpu.barrier barrier_id(%barrier3A_107)
    %mul3A_108 = arith.constant 625 : i32
    %mul3A_109 = arith.muli %arg1, %mul3A_108 : i32
    %mul3A_110 = arith.constant 625 : i32
    %mul3A_111 = arith.muli %arg1, %mul3A_110 : i32
    "tpu.region"() ({
      %run_scoped3A_112 = tpu.sem_alloc : memref<!tpu.dma_semaphore, #tpu.memory_space<semaphore_mem>>
      %dma_start3A_113 = arith.constant 64 : i32
      %dma_start3A_114 = tpu.memref_slice %arg5[%arg0, %mul3A_111, %dma_start3A_113] : memref<2x10000x128xf32, #tpu.memory_space<hbm>> -> memref<1x625x64xf32, #tpu.memory_space<hbm>>
      %dma_start3A_115 = tpu.memref_squeeze %dma_start3A_114 : memref<1x625x64xf32, #tpu.memory_space<hbm>> -> memref<625x64xf32, #tpu.memory_space<hbm>>
      %dma_start3A_116 = arith.constant 0 : i32
      %dma_start3A_117 = tpu.memref_slice %arg13[%mul3A_109, %dma_start3A_116] : memref<10000x64xf32, #tpu.memory_space<vmem_shared>> -> memref<625x64xf32, #tpu.memory_space<vmem_shared>>
      tpu.enqueue_dma source(%dma_start3A_117 : memref<625x64xf32, #tpu.memory_space<vmem_shared>>) target(%dma_start3A_115 : memref<625x64xf32, #tpu.memory_space<hbm>>) target_semaphore(%run_scoped3A_112 : memref<!tpu.dma_semaphore, #tpu.memory_space<semaphore_mem>>)
      %dma_wait3A_118 = arith.constant 64 : i32
      %dma_wait3A_119 = tpu.memref_slice %arg5[%arg0, %mul3A_111, %dma_wait3A_118] : memref<2x10000x128xf32, #tpu.memory_space<hbm>> -> memref<1x625x64xf32, #tpu.memory_space<hbm>>
      %dma_wait3A_120 = tpu.memref_squeeze %dma_wait3A_119 : memref<1x625x64xf32, #tpu.memory_space<hbm>> -> memref<625x64xf32, #tpu.memory_space<hbm>>
      %dma_wait3A_121 = arith.constant 0 : i32
      %dma_wait3A_122 = tpu.memref_slice %arg13[%mul3A_109, %dma_wait3A_121] : memref<10000x64xf32, #tpu.memory_space<vmem_shared>> -> memref<625x64xf32, #tpu.memory_space<vmem_shared>>
      tpu.wait_dma2 semaphore(%run_scoped3A_112 : memref<!tpu.dma_semaphore, #tpu.memory_space<semaphore_mem>>) src(%dma_wait3A_122 : memref<625x64xf32, #tpu.memory_space<vmem_shared>>) dst(%dma_wait3A_120 : memref<625x64xf32, #tpu.memory_space<hbm>>)
      tpu.yield
    }) : () -> ()
    return
  }
}

#map = affine_map<(d0, d1) -> (0, 0)>
#map1 = affine_map<(d0, d1) -> (0, 0, 0)>
module attributes {stable_mosaic.version = 14 : i64} {
  func.func @_sc2_body(%arg0: i32, %arg1: i32, %arg2: memref<10000x64xf32, #tpu.memory_space<hbm>>, %arg3: memref<2x320000xi32, #tpu.memory_space<hbm>>, %arg4: memref<2x10000x128xf32, #tpu.memory_space<hbm>>, %arg5: memref<32x10240xf32, #tpu.memory_space<hbm>>, %arg6: memref<10000xi32, #tpu.memory_space<vmem>>, %arg7: memref<10000xi32, #tpu.memory_space<vmem>>, %arg8: memref<400x64xf32, #tpu.memory_space<vmem>>, %arg9: memref<400x64xf32, #tpu.memory_space<vmem>>, %arg10: memref<125x64xf32, #tpu.memory_space<vmem>>, %arg11: memref<10240xf32, #tpu.memory_space<vmem>>, %arg12: memref<10000x64xf32, #tpu.memory_space<vmem_shared>>, %arg13: memref<!tpu.dma_semaphore, #tpu.memory_space<semaphore_mem>>, %arg14: memref<!tpu.dma_semaphore, #tpu.memory_space<semaphore_mem>>, %arg15: memref<!tpu.dma_semaphore, #tpu.memory_space<semaphore_mem>>, %arg16: memref<!tpu.dma_semaphore, #tpu.memory_space<semaphore_mem>>) attributes {dimension_semantics = [#tpu.dimension_semantics<core_parallel>, #tpu.dimension_semantics<subcore_parallel>], iteration_bounds = array<i64: 2, 16>, scalar_prefetch = 0 : i64, scratch_operands = 11 : i64, tpu.core_type = #tpu.core_type<sc_vector_subcore>, window_params = [{transform_indices = #map}, {transform_indices = #map}, {transform_indices = #map1}, {transform_indices = #map}]} {
    %broadcast_in_dim3A = arith.constant 0.000000e+00 : f32
    %broadcast_in_dim3A_0 = vector.broadcast %broadcast_in_dim3A : f32 to vector<16xf32>
    %scan3A = arith.constant 0 : i32
    %scan3A_1 = arith.constant 0 : i32
    %scan3A_2 = arith.constant 125 : i32
    %scan3A_3 = arith.addi %scan3A_1, %scan3A_2 : i32
    %scan3A_4 = arith.constant 1 : i32
    %scan3A_5 = scf.for %scan3A_69 = %scan3A_1 to %scan3A_3 step %scan3A_4 iter_args(%scan3A_70 = %scan3A) -> (i32)  : i32 {
      %scan3A_71 = arith.constant 0 : i32
      %scan3A_72 = arith.constant 0 : i32
      %scan3A_73 = arith.constant 4 : i32
      %scan3A_74 = arith.addi %scan3A_72, %scan3A_73 : i32
      %scan3A_75 = arith.constant 1 : i32
      %scan3A_76 = scf.for %scan3A_79 = %scan3A_72 to %scan3A_74 step %scan3A_75 iter_args(%scan3A_80 = %scan3A_71) -> (i32)  : i32 {
        %mul3A_81 = arith.constant 16 : i32
        %mul3A_82 = arith.muli %scan3A_79, %mul3A_81 : i32
        %swap3A = arith.index_cast %scan3A_69 : i32 to index
        %swap3A_83 = arith.index_cast %mul3A_82 : i32 to index
        %swap3A_84 = tpu.vector_load %arg10[%swap3A, %swap3A_83] {strides = array<i32>} : memref<125x64xf32, #tpu.memory_space<vmem>>, vector<16xf32>,
        tpu.vector_store %arg10[%swap3A, %swap3A_83], %broadcast_in_dim3A_0 {strides = array<i32>} : memref<125x64xf32, #tpu.memory_space<vmem>>, vector<16xf32>,
        %scan3A_85 = arith.constant 0 : i32
        scf.yield %scan3A_85 : i32
      }
      %scan3A_77 = arith.constant 4 : i32
      %scan3A_78 = arith.constant 0 : i32
      scf.yield %scan3A_78 : i32
    }
    %scan3A_6 = arith.constant 125 : i32
    %mul3A = arith.constant 625 : i32
    %mul3A_7 = arith.muli %arg1, %mul3A : i32
    %add3A = arith.constant 0 : i32
    %add3A_8 = arith.addi %mul3A_7, %add3A : i32
    "tpu.region"() ({
      %run_scoped3A_69 = tpu.sem_alloc : memref<!tpu.dma_semaphore, #tpu.memory_space<semaphore_mem>>
      %dma_start3A_70 = arith.constant 0 : i32
      %dma_start3A_71 = tpu.memref_slice %arg12[%add3A_8, %dma_start3A_70] : memref<10000x64xf32, #tpu.memory_space<vmem_shared>> -> memref<125x64xf32, #tpu.memory_space<vmem_shared>>
      %dma_start3A_72 = arith.constant 0 : i32
      %dma_start3A_73 = tpu.memref_slice %arg12[%add3A_8, %dma_start3A_72] : memref<10000x64xf32, #tpu.memory_space<vmem_shared>> -> memref<125x64xf32, #tpu.memory_space<vmem_shared>>
      tpu.enqueue_dma source(%arg10 : memref<125x64xf32, #tpu.memory_space<vmem>>) target(%dma_start3A_73 : memref<125x64xf32, #tpu.memory_space<vmem_shared>>) target_semaphore(%run_scoped3A_69 : memref<!tpu.dma_semaphore, #tpu.memory_space<semaphore_mem>>)
      %dma_wait3A_74 = arith.constant 0 : i32
      %dma_wait3A_75 = tpu.memref_slice %arg12[%add3A_8, %dma_wait3A_74] : memref<10000x64xf32, #tpu.memory_space<vmem_shared>> -> memref<125x64xf32, #tpu.memory_space<vmem_shared>>
      %dma_wait3A_76 = arith.constant 0 : i32
      %dma_wait3A_77 = tpu.memref_slice %arg12[%add3A_8, %dma_wait3A_76] : memref<10000x64xf32, #tpu.memory_space<vmem_shared>> -> memref<125x64xf32, #tpu.memory_space<vmem_shared>>
      tpu.wait_dma2 semaphore(%run_scoped3A_69 : memref<!tpu.dma_semaphore, #tpu.memory_space<semaphore_mem>>) src(%arg10 : memref<125x64xf32, #tpu.memory_space<vmem>>) dst(%dma_wait3A_77 : memref<125x64xf32, #tpu.memory_space<vmem_shared>>)
      tpu.yield
    }) : () -> ()
    %mul3A_9 = arith.constant 625 : i32
    %mul3A_10 = arith.muli %arg1, %mul3A_9 : i32
    %add3A_11 = arith.constant 125 : i32
    %add3A_12 = arith.addi %mul3A_10, %add3A_11 : i32
    "tpu.region"() ({
      %run_scoped3A_69 = tpu.sem_alloc : memref<!tpu.dma_semaphore, #tpu.memory_space<semaphore_mem>>
      %dma_start3A_70 = arith.constant 0 : i32
      %dma_start3A_71 = tpu.memref_slice %arg12[%add3A_12, %dma_start3A_70] : memref<10000x64xf32, #tpu.memory_space<vmem_shared>> -> memref<125x64xf32, #tpu.memory_space<vmem_shared>>
      %dma_start3A_72 = arith.constant 0 : i32
      %dma_start3A_73 = tpu.memref_slice %arg12[%add3A_12, %dma_start3A_72] : memref<10000x64xf32, #tpu.memory_space<vmem_shared>> -> memref<125x64xf32, #tpu.memory_space<vmem_shared>>
      tpu.enqueue_dma source(%arg10 : memref<125x64xf32, #tpu.memory_space<vmem>>) target(%dma_start3A_73 : memref<125x64xf32, #tpu.memory_space<vmem_shared>>) target_semaphore(%run_scoped3A_69 : memref<!tpu.dma_semaphore, #tpu.memory_space<semaphore_mem>>)
      %dma_wait3A_74 = arith.constant 0 : i32
      %dma_wait3A_75 = tpu.memref_slice %arg12[%add3A_12, %dma_wait3A_74] : memref<10000x64xf32, #tpu.memory_space<vmem_shared>> -> memref<125x64xf32, #tpu.memory_space<vmem_shared>>
      %dma_wait3A_76 = arith.constant 0 : i32
      %dma_wait3A_77 = tpu.memref_slice %arg12[%add3A_12, %dma_wait3A_76] : memref<10000x64xf32, #tpu.memory_space<vmem_shared>> -> memref<125x64xf32, #tpu.memory_space<vmem_shared>>
      tpu.wait_dma2 semaphore(%run_scoped3A_69 : memref<!tpu.dma_semaphore, #tpu.memory_space<semaphore_mem>>) src(%arg10 : memref<125x64xf32, #tpu.memory_space<vmem>>) dst(%dma_wait3A_77 : memref<125x64xf32, #tpu.memory_space<vmem_shared>>)
      tpu.yield
    }) : () -> ()
    %mul3A_13 = arith.constant 625 : i32
    %mul3A_14 = arith.muli %arg1, %mul3A_13 : i32
    %add3A_15 = arith.constant 250 : i32
    %add3A_16 = arith.addi %mul3A_14, %add3A_15 : i32
    "tpu.region"() ({
      %run_scoped3A_69 = tpu.sem_alloc : memref<!tpu.dma_semaphore, #tpu.memory_space<semaphore_mem>>
      %dma_start3A_70 = arith.constant 0 : i32
      %dma_start3A_71 = tpu.memref_slice %arg12[%add3A_16, %dma_start3A_70] : memref<10000x64xf32, #tpu.memory_space<vmem_shared>> -> memref<125x64xf32, #tpu.memory_space<vmem_shared>>
      %dma_start3A_72 = arith.constant 0 : i32
      %dma_start3A_73 = tpu.memref_slice %arg12[%add3A_16, %dma_start3A_72] : memref<10000x64xf32, #tpu.memory_space<vmem_shared>> -> memref<125x64xf32, #tpu.memory_space<vmem_shared>>
      tpu.enqueue_dma source(%arg10 : memref<125x64xf32, #tpu.memory_space<vmem>>) target(%dma_start3A_73 : memref<125x64xf32, #tpu.memory_space<vmem_shared>>) target_semaphore(%run_scoped3A_69 : memref<!tpu.dma_semaphore, #tpu.memory_space<semaphore_mem>>)
      %dma_wait3A_74 = arith.constant 0 : i32
      %dma_wait3A_75 = tpu.memref_slice %arg12[%add3A_16, %dma_wait3A_74] : memref<10000x64xf32, #tpu.memory_space<vmem_shared>> -> memref<125x64xf32, #tpu.memory_space<vmem_shared>>
      %dma_wait3A_76 = arith.constant 0 : i32
      %dma_wait3A_77 = tpu.memref_slice %arg12[%add3A_16, %dma_wait3A_76] : memref<10000x64xf32, #tpu.memory_space<vmem_shared>> -> memref<125x64xf32, #tpu.memory_space<vmem_shared>>
      tpu.wait_dma2 semaphore(%run_scoped3A_69 : memref<!tpu.dma_semaphore, #tpu.memory_space<semaphore_mem>>) src(%arg10 : memref<125x64xf32, #tpu.memory_space<vmem>>) dst(%dma_wait3A_77 : memref<125x64xf32, #tpu.memory_space<vmem_shared>>)
      tpu.yield
    }) : () -> ()
    %mul3A_17 = arith.constant 625 : i32
    %mul3A_18 = arith.muli %arg1, %mul3A_17 : i32
    %add3A_19 = arith.constant 375 : i32
    %add3A_20 = arith.addi %mul3A_18, %add3A_19 : i32
    "tpu.region"() ({
      %run_scoped3A_69 = tpu.sem_alloc : memref<!tpu.dma_semaphore, #tpu.memory_space<semaphore_mem>>
      %dma_start3A_70 = arith.constant 0 : i32
      %dma_start3A_71 = tpu.memref_slice %arg12[%add3A_20, %dma_start3A_70] : memref<10000x64xf32, #tpu.memory_space<vmem_shared>> -> memref<125x64xf32, #tpu.memory_space<vmem_shared>>
      %dma_start3A_72 = arith.constant 0 : i32
      %dma_start3A_73 = tpu.memref_slice %arg12[%add3A_20, %dma_start3A_72] : memref<10000x64xf32, #tpu.memory_space<vmem_shared>> -> memref<125x64xf32, #tpu.memory_space<vmem_shared>>
      tpu.enqueue_dma source(%arg10 : memref<125x64xf32, #tpu.memory_space<vmem>>) target(%dma_start3A_73 : memref<125x64xf32, #tpu.memory_space<vmem_shared>>) target_semaphore(%run_scoped3A_69 : memref<!tpu.dma_semaphore, #tpu.memory_space<semaphore_mem>>)
      %dma_wait3A_74 = arith.constant 0 : i32
      %dma_wait3A_75 = tpu.memref_slice %arg12[%add3A_20, %dma_wait3A_74] : memref<10000x64xf32, #tpu.memory_space<vmem_shared>> -> memref<125x64xf32, #tpu.memory_space<vmem_shared>>
      %dma_wait3A_76 = arith.constant 0 : i32
      %dma_wait3A_77 = tpu.memref_slice %arg12[%add3A_20, %dma_wait3A_76] : memref<10000x64xf32, #tpu.memory_space<vmem_shared>> -> memref<125x64xf32, #tpu.memory_space<vmem_shared>>
      tpu.wait_dma2 semaphore(%run_scoped3A_69 : memref<!tpu.dma_semaphore, #tpu.memory_space<semaphore_mem>>) src(%arg10 : memref<125x64xf32, #tpu.memory_space<vmem>>) dst(%dma_wait3A_77 : memref<125x64xf32, #tpu.memory_space<vmem_shared>>)
      tpu.yield
    }) : () -> ()
    %mul3A_21 = arith.constant 625 : i32
    %mul3A_22 = arith.muli %arg1, %mul3A_21 : i32
    %add3A_23 = arith.constant 500 : i32
    %add3A_24 = arith.addi %mul3A_22, %add3A_23 : i32
    "tpu.region"() ({
      %run_scoped3A_69 = tpu.sem_alloc : memref<!tpu.dma_semaphore, #tpu.memory_space<semaphore_mem>>
      %dma_start3A_70 = arith.constant 0 : i32
      %dma_start3A_71 = tpu.memref_slice %arg12[%add3A_24, %dma_start3A_70] : memref<10000x64xf32, #tpu.memory_space<vmem_shared>> -> memref<125x64xf32, #tpu.memory_space<vmem_shared>>
      %dma_start3A_72 = arith.constant 0 : i32
      %dma_start3A_73 = tpu.memref_slice %arg12[%add3A_24, %dma_start3A_72] : memref<10000x64xf32, #tpu.memory_space<vmem_shared>> -> memref<125x64xf32, #tpu.memory_space<vmem_shared>>
      tpu.enqueue_dma source(%arg10 : memref<125x64xf32, #tpu.memory_space<vmem>>) target(%dma_start3A_73 : memref<125x64xf32, #tpu.memory_space<vmem_shared>>) target_semaphore(%run_scoped3A_69 : memref<!tpu.dma_semaphore, #tpu.memory_space<semaphore_mem>>)
      %dma_wait3A_74 = arith.constant 0 : i32
      %dma_wait3A_75 = tpu.memref_slice %arg12[%add3A_24, %dma_wait3A_74] : memref<10000x64xf32, #tpu.memory_space<vmem_shared>> -> memref<125x64xf32, #tpu.memory_space<vmem_shared>>
      %dma_wait3A_76 = arith.constant 0 : i32
      %dma_wait3A_77 = tpu.memref_slice %arg12[%add3A_24, %dma_wait3A_76] : memref<10000x64xf32, #tpu.memory_space<vmem_shared>> -> memref<125x64xf32, #tpu.memory_space<vmem_shared>>
      tpu.wait_dma2 semaphore(%run_scoped3A_69 : memref<!tpu.dma_semaphore, #tpu.memory_space<semaphore_mem>>) src(%arg10 : memref<125x64xf32, #tpu.memory_space<vmem>>) dst(%dma_wait3A_77 : memref<125x64xf32, #tpu.memory_space<vmem_shared>>)
      tpu.yield
    }) : () -> ()
    %scan3A_25 = arith.constant 0 : i32
    %scan3A_26 = arith.constant 0 : i32
    %scan3A_27 = arith.constant 640 : i32
    %scan3A_28 = arith.addi %scan3A_26, %scan3A_27 : i32
    %scan3A_29 = arith.constant 1 : i32
    %scan3A_30 = scf.for %scan3A_69 = %scan3A_26 to %scan3A_28 step %scan3A_29 iter_args(%scan3A_70 = %scan3A_25) -> (i32)  : i32 {
      %broadcast_in_dim3A_71 = arith.constant 0.000000e+00 : f32
      %broadcast_in_dim3A_72 = vector.broadcast %broadcast_in_dim3A_71 : f32 to vector<16xf32>
      %mul3A_73 = arith.constant 16 : i32
      %mul3A_74 = arith.muli %scan3A_69, %mul3A_73 : i32
      %swap3A = arith.index_cast %mul3A_74 : i32 to index
      %swap3A_75 = tpu.vector_load %arg11[%swap3A] {strides = array<i32>} : memref<10240xf32, #tpu.memory_space<vmem>>, vector<16xf32>,
      tpu.vector_store %arg11[%swap3A], %broadcast_in_dim3A_72 {strides = array<i32>} : memref<10240xf32, #tpu.memory_space<vmem>>, vector<16xf32>,
      %scan3A_76 = arith.constant 0 : i32
      scf.yield %scan3A_76 : i32
    }
    %scan3A_31 = arith.constant 640 : i32
    %mul3A_32 = arith.constant 16 : i32
    %mul3A_33 = arith.muli %arg0, %mul3A_32 : i32
    %add3A_34 = arith.addi %mul3A_33, %arg1 : i32
    %mul3A_35 = arith.constant 10000 : i32
    %mul3A_36 = arith.muli %add3A_34, %mul3A_35 : i32
    %run_scoped3A = arith.constant 0 : i32
    "tpu.region"() ({
      %run_scoped3A_69 = tpu.sem_alloc : memref<!tpu.dma_semaphore, #tpu.memory_space<semaphore_mem>>
      %dma_start3A_70 = tpu.memref_slice %arg3[%run_scoped3A, %mul3A_36] : memref<2x320000xi32, #tpu.memory_space<hbm>> -> memref<1x10000xi32, #tpu.memory_space<hbm>>
      %dma_start3A_71 = tpu.memref_squeeze %dma_start3A_70 : memref<1x10000xi32, #tpu.memory_space<hbm>> -> memref<10000xi32, #tpu.memory_space<hbm>>
      %dma_start3A_72 = tpu.memref_slice %arg3[%run_scoped3A, %mul3A_36] : memref<2x320000xi32, #tpu.memory_space<hbm>> -> memref<1x10000xi32, #tpu.memory_space<hbm>>
      %dma_start3A_73 = tpu.memref_squeeze %dma_start3A_72 : memref<1x10000xi32, #tpu.memory_space<hbm>> -> memref<10000xi32, #tpu.memory_space<hbm>>
      tpu.enqueue_dma source(%dma_start3A_73 : memref<10000xi32, #tpu.memory_space<hbm>>) target(%arg6 : memref<10000xi32, #tpu.memory_space<vmem>>) target_semaphore(%run_scoped3A_69 : memref<!tpu.dma_semaphore, #tpu.memory_space<semaphore_mem>>)
      %dma_wait3A_74 = tpu.memref_slice %arg3[%run_scoped3A, %mul3A_36] : memref<2x320000xi32, #tpu.memory_space<hbm>> -> memref<1x10000xi32, #tpu.memory_space<hbm>>
      %dma_wait3A_75 = tpu.memref_squeeze %dma_wait3A_74 : memref<1x10000xi32, #tpu.memory_space<hbm>> -> memref<10000xi32, #tpu.memory_space<hbm>>
      %dma_wait3A_76 = tpu.memref_slice %arg3[%run_scoped3A, %mul3A_36] : memref<2x320000xi32, #tpu.memory_space<hbm>> -> memref<1x10000xi32, #tpu.memory_space<hbm>>
      %dma_wait3A_77 = tpu.memref_squeeze %dma_wait3A_76 : memref<1x10000xi32, #tpu.memory_space<hbm>> -> memref<10000xi32, #tpu.memory_space<hbm>>
      tpu.wait_dma2 semaphore(%run_scoped3A_69 : memref<!tpu.dma_semaphore, #tpu.memory_space<semaphore_mem>>) src(%dma_wait3A_77 : memref<10000xi32, #tpu.memory_space<hbm>>) dst(%arg6 : memref<10000xi32, #tpu.memory_space<vmem>>)
      tpu.yield
    }) : () -> ()
    %mul3A_37 = arith.constant 10000 : i32
    %mul3A_38 = arith.muli %add3A_34, %mul3A_37 : i32
    %run_scoped3A_39 = arith.constant 1 : i32
    "tpu.region"() ({
      %run_scoped3A_69 = tpu.sem_alloc : memref<!tpu.dma_semaphore, #tpu.memory_space<semaphore_mem>>
      %dma_start3A_70 = tpu.memref_slice %arg3[%run_scoped3A_39, %mul3A_38] : memref<2x320000xi32, #tpu.memory_space<hbm>> -> memref<1x10000xi32, #tpu.memory_space<hbm>>
      %dma_start3A_71 = tpu.memref_squeeze %dma_start3A_70 : memref<1x10000xi32, #tpu.memory_space<hbm>> -> memref<10000xi32, #tpu.memory_space<hbm>>
      %dma_start3A_72 = tpu.memref_slice %arg3[%run_scoped3A_39, %mul3A_38] : memref<2x320000xi32, #tpu.memory_space<hbm>> -> memref<1x10000xi32, #tpu.memory_space<hbm>>
      %dma_start3A_73 = tpu.memref_squeeze %dma_start3A_72 : memref<1x10000xi32, #tpu.memory_space<hbm>> -> memref<10000xi32, #tpu.memory_space<hbm>>
      tpu.enqueue_dma source(%dma_start3A_73 : memref<10000xi32, #tpu.memory_space<hbm>>) target(%arg7 : memref<10000xi32, #tpu.memory_space<vmem>>) target_semaphore(%run_scoped3A_69 : memref<!tpu.dma_semaphore, #tpu.memory_space<semaphore_mem>>)
      %dma_wait3A_74 = tpu.memref_slice %arg3[%run_scoped3A_39, %mul3A_38] : memref<2x320000xi32, #tpu.memory_space<hbm>> -> memref<1x10000xi32, #tpu.memory_space<hbm>>
      %dma_wait3A_75 = tpu.memref_squeeze %dma_wait3A_74 : memref<1x10000xi32, #tpu.memory_space<hbm>> -> memref<10000xi32, #tpu.memory_space<hbm>>
      %dma_wait3A_76 = tpu.memref_slice %arg3[%run_scoped3A_39, %mul3A_38] : memref<2x320000xi32, #tpu.memory_space<hbm>> -> memref<1x10000xi32, #tpu.memory_space<hbm>>
      %dma_wait3A_77 = tpu.memref_squeeze %dma_wait3A_76 : memref<1x10000xi32, #tpu.memory_space<hbm>> -> memref<10000xi32, #tpu.memory_space<hbm>>
      tpu.wait_dma2 semaphore(%run_scoped3A_69 : memref<!tpu.dma_semaphore, #tpu.memory_space<semaphore_mem>>) src(%dma_wait3A_77 : memref<10000xi32, #tpu.memory_space<hbm>>) dst(%arg7 : memref<10000xi32, #tpu.memory_space<vmem>>)
      tpu.yield
    }) : () -> ()
    %barrier3A = arith.constant 0 : index
    tpu.barrier barrier_id(%barrier3A)
    %broadcast_in_dim3A_40 = arith.constant 1.000000e+00 : f32
    %broadcast_in_dim3A_41 = vector.broadcast %broadcast_in_dim3A_40 : f32 to vector<16xf32>
    %scan3A_42 = arith.constant 0 : i32
    %scan3A_43 = arith.constant 0 : i32
    %scan3A_44 = arith.constant 12 : i32
    %scan3A_45 = arith.addi %scan3A_43, %scan3A_44 : i32
    %scan3A_46 = arith.constant 1 : i32
    %scan3A_47 = scf.for %scan3A_69 = %scan3A_43 to %scan3A_45 step %scan3A_46 iter_args(%scan3A_70 = %scan3A_42) -> (i32)  : i32 {
      %mul3A_71 = arith.constant 2 : i32
      %mul3A_72 = arith.muli %mul3A_71, %scan3A_69 : i32
      %add3A_73 = arith.constant 0 : i32
      %add3A_74 = arith.addi %mul3A_72, %add3A_73 : i32
      %mul3A_75 = arith.constant 400 : i32
      %mul3A_76 = arith.muli %add3A_74, %mul3A_75 : i32
      %dma_start3A_77 = tpu.memref_slice %arg6[%mul3A_76] : memref<10000xi32, #tpu.memory_space<vmem>> -> memref<400xi32, #tpu.memory_space<vmem>>
      %dma_start3A_78 = arith.constant 0 : i32
      %dma_start3A_79 = arith.constant 0 : i32
      %dma_start3A_80 = tpu.memref_slice %arg2[%dma_start3A_78, %dma_start3A_79] : memref<10000x64xf32, #tpu.memory_space<hbm>> -> memref<10000x64xf32, #tpu.memory_space<hbm>>
      tpu.enqueue_indirect_dma source(%dma_start3A_80 : memref<10000x64xf32, #tpu.memory_space<hbm>>) target(%arg8 : memref<400x64xf32, #tpu.memory_space<vmem>>) offsets(%dma_start3A_77 : memref<400xi32, #tpu.memory_space<vmem>>) semaphore(%arg13 : memref<!tpu.dma_semaphore, #tpu.memory_space<semaphore_mem>>)
      %add3A_81 = arith.constant 1 : i32
      %add3A_82 = arith.addi %mul3A_72, %add3A_81 : i32
      %mul3A_83 = arith.constant 400 : i32
      %mul3A_84 = arith.muli %add3A_82, %mul3A_83 : i32
      %dma_start3A_85 = tpu.memref_slice %arg6[%mul3A_84] : memref<10000xi32, #tpu.memory_space<vmem>> -> memref<400xi32, #tpu.memory_space<vmem>>
      %dma_start3A_86 = arith.constant 0 : i32
      %dma_start3A_87 = arith.constant 0 : i32
      %dma_start3A_88 = tpu.memref_slice %arg2[%dma_start3A_86, %dma_start3A_87] : memref<10000x64xf32, #tpu.memory_space<hbm>> -> memref<10000x64xf32, #tpu.memory_space<hbm>>
      tpu.enqueue_indirect_dma source(%dma_start3A_88 : memref<10000x64xf32, #tpu.memory_space<hbm>>) target(%arg9 : memref<400x64xf32, #tpu.memory_space<vmem>>) offsets(%dma_start3A_85 : memref<400xi32, #tpu.memory_space<vmem>>) semaphore(%arg14 : memref<!tpu.dma_semaphore, #tpu.memory_space<semaphore_mem>>)
      %add3A_89 = arith.constant 0 : i32
      %add3A_90 = arith.addi %mul3A_72, %add3A_89 : i32
      %scan3A_91 = arith.constant 0 : i32
      %scan3A_92 = arith.constant 0 : i32
      %scan3A_93 = arith.constant 25 : i32
      %scan3A_94 = arith.addi %scan3A_92, %scan3A_93 : i32
      %scan3A_95 = arith.constant 1 : i32
      %scan3A_96 = scf.for %scan3A_140 = %scan3A_92 to %scan3A_94 step %scan3A_95 iter_args(%scan3A_141 = %scan3A_91) -> (i32)  : i32 {
        %mul3A_142 = arith.constant 400 : i32
        %mul3A_143 = arith.muli %add3A_90, %mul3A_142 : i32
        %mul3A_144 = arith.constant 16 : i32
        %mul3A_145 = arith.muli %scan3A_140, %mul3A_144 : i32
        %add3A_146 = arith.addi %mul3A_143, %mul3A_145 : i32
        %get3A = arith.index_cast %add3A_146 : i32 to index
        %get3A_147 = tpu.vector_load %arg7[%get3A] {strides = array<i32>} : memref<10000xi32, #tpu.memory_space<vmem>>, vector<16xi32>,
        tpu.vector_store_idx %arg11[%get3A_147], %broadcast_in_dim3A_41 {add = true} : memref<10240xf32, #tpu.memory_space<vmem>>[vector<16xi32>], vector<16xf32>,
        %scan3A_148 = arith.constant 0 : i32
        scf.yield %scan3A_148 : i32
      }
      %scan3A_97 = arith.constant 25 : i32
      %dma_wait3A_98 = tpu.memref_slice %arg6[%mul3A_76] : memref<10000xi32, #tpu.memory_space<vmem>> -> memref<400xi32, #tpu.memory_space<vmem>>
      %dma_wait3A_99 = arith.constant 0 : i32
      %dma_wait3A_100 = arith.constant 0 : i32
      %dma_wait3A_101 = tpu.memref_slice %arg2[%dma_wait3A_99, %dma_wait3A_100] : memref<10000x64xf32, #tpu.memory_space<hbm>> -> memref<10000x64xf32, #tpu.memory_space<hbm>>
      tpu.wait_indirect_dma semaphore(%arg13 : memref<!tpu.dma_semaphore, #tpu.memory_space<semaphore_mem>>) src(%dma_wait3A_101 : memref<10000x64xf32, #tpu.memory_space<hbm>>) dst(%arg8 : memref<400x64xf32, #tpu.memory_space<vmem>>)
      %add3A_102 = arith.constant 0 : i32
      %add3A_103 = arith.addi %mul3A_72, %add3A_102 : i32
      %mul3A_104 = arith.constant 400 : i32
      %mul3A_105 = arith.muli %add3A_103, %mul3A_104 : i32
      %dma_start3A_106 = tpu.memref_slice %arg7[%mul3A_105] : memref<10000xi32, #tpu.memory_space<vmem>> -> memref<400xi32, #tpu.memory_space<vmem>>
      %dma_start3A_107 = arith.constant 0 : i32
      %dma_start3A_108 = arith.constant 0 : i32
      %dma_start3A_109 = tpu.memref_slice %arg12[%dma_start3A_107, %dma_start3A_108] : memref<10000x64xf32, #tpu.memory_space<vmem_shared>> -> memref<10000x64xf32, #tpu.memory_space<vmem_shared>>
      tpu.enqueue_indirect_dma source(%arg8 : memref<400x64xf32, #tpu.memory_space<vmem>>) target(%dma_start3A_109 : memref<10000x64xf32, #tpu.memory_space<vmem_shared>>) offsets(%dma_start3A_106 : memref<400xi32, #tpu.memory_space<vmem>>) semaphore(%arg15 : memref<!tpu.dma_semaphore, #tpu.memory_space<semaphore_mem>>) {add = true}
      %add3A_110 = arith.constant 1 : i32
      %add3A_111 = arith.addi %mul3A_72, %add3A_110 : i32
      %scan3A_112 = arith.constant 0 : i32
      %scan3A_113 = arith.constant 0 : i32
      %scan3A_114 = arith.constant 25 : i32
      %scan3A_115 = arith.addi %scan3A_113, %scan3A_114 : i32
      %scan3A_116 = arith.constant 1 : i32
      %scan3A_117 = scf.for %scan3A_140 = %scan3A_113 to %scan3A_115 step %scan3A_116 iter_args(%scan3A_141 = %scan3A_112) -> (i32)  : i32 {
        %mul3A_142 = arith.constant 400 : i32
        %mul3A_143 = arith.muli %add3A_111, %mul3A_142 : i32
        %mul3A_144 = arith.constant 16 : i32
        %mul3A_145 = arith.muli %scan3A_140, %mul3A_144 : i32
        %add3A_146 = arith.addi %mul3A_143, %mul3A_145 : i32
        %get3A = arith.index_cast %add3A_146 : i32 to index
        %get3A_147 = tpu.vector_load %arg7[%get3A] {strides = array<i32>} : memref<10000xi32, #tpu.memory_space<vmem>>, vector<16xi32>,
        tpu.vector_store_idx %arg11[%get3A_147], %broadcast_in_dim3A_41 {add = true} : memref<10240xf32, #tpu.memory_space<vmem>>[vector<16xi32>], vector<16xf32>,
        %scan3A_148 = arith.constant 0 : i32
        scf.yield %scan3A_148 : i32
      }
      %scan3A_118 = arith.constant 25 : i32
      %dma_wait3A_119 = tpu.memref_slice %arg6[%mul3A_84] : memref<10000xi32, #tpu.memory_space<vmem>> -> memref<400xi32, #tpu.memory_space<vmem>>
      %dma_wait3A_120 = arith.constant 0 : i32
      %dma_wait3A_121 = arith.constant 0 : i32
      %dma_wait3A_122 = tpu.memref_slice %arg2[%dma_wait3A_120, %dma_wait3A_121] : memref<10000x64xf32, #tpu.memory_space<hbm>> -> memref<10000x64xf32, #tpu.memory_space<hbm>>
      tpu.wait_indirect_dma semaphore(%arg14 : memref<!tpu.dma_semaphore, #tpu.memory_space<semaphore_mem>>) src(%dma_wait3A_122 : memref<10000x64xf32, #tpu.memory_space<hbm>>) dst(%arg9 : memref<400x64xf32, #tpu.memory_space<vmem>>)
      %add3A_123 = arith.constant 1 : i32
      %add3A_124 = arith.addi %mul3A_72, %add3A_123 : i32
      %mul3A_125 = arith.constant 400 : i32
      %mul3A_126 = arith.muli %add3A_124, %mul3A_125 : i32
      %dma_start3A_127 = tpu.memref_slice %arg7[%mul3A_126] : memref<10000xi32, #tpu.memory_space<vmem>> -> memref<400xi32, #tpu.memory_space<vmem>>
      %dma_start3A_128 = arith.constant 0 : i32
      %dma_start3A_129 = arith.constant 0 : i32
      %dma_start3A_130 = tpu.memref_slice %arg12[%dma_start3A_128, %dma_start3A_129] : memref<10000x64xf32, #tpu.memory_space<vmem_shared>> -> memref<10000x64xf32, #tpu.memory_space<vmem_shared>>
      tpu.enqueue_indirect_dma source(%arg9 : memref<400x64xf32, #tpu.memory_space<vmem>>) target(%dma_start3A_130 : memref<10000x64xf32, #tpu.memory_space<vmem_shared>>) offsets(%dma_start3A_127 : memref<400xi32, #tpu.memory_space<vmem>>) semaphore(%arg16 : memref<!tpu.dma_semaphore, #tpu.memory_space<semaphore_mem>>) {add = true}
      %dma_wait3A_131 = tpu.memref_slice %arg7[%mul3A_105] : memref<10000xi32, #tpu.memory_space<vmem>> -> memref<400xi32, #tpu.memory_space<vmem>>
      %dma_wait3A_132 = arith.constant 0 : i32
      %dma_wait3A_133 = arith.constant 0 : i32
      %dma_wait3A_134 = tpu.memref_slice %arg12[%dma_wait3A_132, %dma_wait3A_133] : memref<10000x64xf32, #tpu.memory_space<vmem_shared>> -> memref<10000x64xf32, #tpu.memory_space<vmem_shared>>
      tpu.wait_indirect_dma semaphore(%arg15 : memref<!tpu.dma_semaphore, #tpu.memory_space<semaphore_mem>>) src(%arg8 : memref<400x64xf32, #tpu.memory_space<vmem>>) dst(%dma_wait3A_134 : memref<10000x64xf32, #tpu.memory_space<vmem_shared>>)
      %dma_wait3A_135 = tpu.memref_slice %arg7[%mul3A_126] : memref<10000xi32, #tpu.memory_space<vmem>> -> memref<400xi32, #tpu.memory_space<vmem>>
      %dma_wait3A_136 = arith.constant 0 : i32
      %dma_wait3A_137 = arith.constant 0 : i32
      %dma_wait3A_138 = tpu.memref_slice %arg12[%dma_wait3A_136, %dma_wait3A_137] : memref<10000x64xf32, #tpu.memory_space<vmem_shared>> -> memref<10000x64xf32, #tpu.memory_space<vmem_shared>>
      tpu.wait_indirect_dma semaphore(%arg16 : memref<!tpu.dma_semaphore, #tpu.memory_space<semaphore_mem>>) src(%arg9 : memref<400x64xf32, #tpu.memory_space<vmem>>) dst(%dma_wait3A_138 : memref<10000x64xf32, #tpu.memory_space<vmem_shared>>)
      %scan3A_139 = arith.constant 0 : i32
      scf.yield %scan3A_139 : i32
    }
    %scan3A_48 = arith.constant 12 : i32
    %dma_start3A = arith.constant 9600 : i32
    %dma_start3A_49 = tpu.memref_slice %arg6[%dma_start3A] : memref<10000xi32, #tpu.memory_space<vmem>> -> memref<400xi32, #tpu.memory_space<vmem>>
    %dma_start3A_50 = arith.constant 0 : i32
    %dma_start3A_51 = arith.constant 0 : i32
    %dma_start3A_52 = tpu.memref_slice %arg2[%dma_start3A_50, %dma_start3A_51] : memref<10000x64xf32, #tpu.memory_space<hbm>> -> memref<10000x64xf32, #tpu.memory_space<hbm>>
    tpu.enqueue_indirect_dma source(%dma_start3A_52 : memref<10000x64xf32, #tpu.memory_space<hbm>>) target(%arg8 : memref<400x64xf32, #tpu.memory_space<vmem>>) offsets(%dma_start3A_49 : memref<400xi32, #tpu.memory_space<vmem>>) semaphore(%arg13 : memref<!tpu.dma_semaphore, #tpu.memory_space<semaphore_mem>>)
    %scan3A_53 = arith.constant 0 : i32
    %scan3A_54 = arith.constant 0 : i32
    %scan3A_55 = arith.constant 25 : i32
    %scan3A_56 = arith.addi %scan3A_54, %scan3A_55 : i32
    %scan3A_57 = arith.constant 1 : i32
    %scan3A_58 = scf.for %scan3A_69 = %scan3A_54 to %scan3A_56 step %scan3A_57 iter_args(%scan3A_70 = %scan3A_53) -> (i32)  : i32 {
      %mul3A_71 = arith.constant 16 : i32
      %mul3A_72 = arith.muli %scan3A_69, %mul3A_71 : i32
      %add3A_73 = arith.constant 9600 : i32
      %add3A_74 = arith.addi %add3A_73, %mul3A_72 : i32
      %get3A = arith.index_cast %add3A_74 : i32 to index
      %get3A_75 = tpu.vector_load %arg7[%get3A] {strides = array<i32>} : memref<10000xi32, #tpu.memory_space<vmem>>, vector<16xi32>,
      tpu.vector_store_idx %arg11[%get3A_75], %broadcast_in_dim3A_41 {add = true} : memref<10240xf32, #tpu.memory_space<vmem>>[vector<16xi32>], vector<16xf32>,
      %scan3A_76 = arith.constant 0 : i32
      scf.yield %scan3A_76 : i32
    }
    %scan3A_59 = arith.constant 25 : i32
    %dma_wait3A = arith.constant 9600 : i32
    %dma_wait3A_60 = tpu.memref_slice %arg6[%dma_wait3A] : memref<10000xi32, #tpu.memory_space<vmem>> -> memref<400xi32, #tpu.memory_space<vmem>>
    %dma_wait3A_61 = arith.constant 0 : i32
    %dma_wait3A_62 = arith.constant 0 : i32
    %dma_wait3A_63 = tpu.memref_slice %arg2[%dma_wait3A_61, %dma_wait3A_62] : memref<10000x64xf32, #tpu.memory_space<hbm>> -> memref<10000x64xf32, #tpu.memory_space<hbm>>
    tpu.wait_indirect_dma semaphore(%arg13 : memref<!tpu.dma_semaphore, #tpu.memory_space<semaphore_mem>>) src(%dma_wait3A_63 : memref<10000x64xf32, #tpu.memory_space<hbm>>) dst(%arg8 : memref<400x64xf32, #tpu.memory_space<vmem>>)
    "tpu.region"() ({
      %run_scoped3A_69 = tpu.sem_alloc : memref<!tpu.dma_semaphore, #tpu.memory_space<semaphore_mem>>
      %dma_start3A_70 = arith.constant 9600 : i32
      %dma_start3A_71 = tpu.memref_slice %arg7[%dma_start3A_70] : memref<10000xi32, #tpu.memory_space<vmem>> -> memref<400xi32, #tpu.memory_space<vmem>>
      %dma_start3A_72 = arith.constant 0 : i32
      %dma_start3A_73 = arith.constant 0 : i32
      %dma_start3A_74 = tpu.memref_slice %arg12[%dma_start3A_72, %dma_start3A_73] : memref<10000x64xf32, #tpu.memory_space<vmem_shared>> -> memref<10000x64xf32, #tpu.memory_space<vmem_shared>>
      tpu.enqueue_indirect_dma source(%arg8 : memref<400x64xf32, #tpu.memory_space<vmem>>) target(%dma_start3A_74 : memref<10000x64xf32, #tpu.memory_space<vmem_shared>>) offsets(%dma_start3A_71 : memref<400xi32, #tpu.memory_space<vmem>>) semaphore(%run_scoped3A_69 : memref<!tpu.dma_semaphore, #tpu.memory_space<semaphore_mem>>) {add = true}
      %dma_wait3A_75 = arith.constant 9600 : i32
      %dma_wait3A_76 = tpu.memref_slice %arg7[%dma_wait3A_75] : memref<10000xi32, #tpu.memory_space<vmem>> -> memref<400xi32, #tpu.memory_space<vmem>>
      %dma_wait3A_77 = arith.constant 0 : i32
      %dma_wait3A_78 = arith.constant 0 : i32
      %dma_wait3A_79 = tpu.memref_slice %arg12[%dma_wait3A_77, %dma_wait3A_78] : memref<10000x64xf32, #tpu.memory_space<vmem_shared>> -> memref<10000x64xf32, #tpu.memory_space<vmem_shared>>
      tpu.wait_indirect_dma semaphore(%run_scoped3A_69 : memref<!tpu.dma_semaphore, #tpu.memory_space<semaphore_mem>>) src(%arg8 : memref<400x64xf32, #tpu.memory_space<vmem>>) dst(%dma_wait3A_79 : memref<10000x64xf32, #tpu.memory_space<vmem_shared>>)
      tpu.yield
    }) : () -> ()
    %barrier3A_64 = arith.constant 0 : index
    tpu.barrier barrier_id(%barrier3A_64)
    %mul3A_65 = arith.constant 625 : i32
    %mul3A_66 = arith.muli %arg1, %mul3A_65 : i32
    %mul3A_67 = arith.constant 625 : i32
    %mul3A_68 = arith.muli %arg1, %mul3A_67 : i32
    "tpu.region"() ({
      %run_scoped3A_69 = tpu.sem_alloc : memref<!tpu.dma_semaphore, #tpu.memory_space<semaphore_mem>>
      %dma_start3A_70 = arith.constant 0 : i32
      %dma_start3A_71 = tpu.memref_slice %arg4[%arg0, %mul3A_68, %dma_start3A_70] : memref<2x10000x128xf32, #tpu.memory_space<hbm>> -> memref<1x625x64xf32, #tpu.memory_space<hbm>>
      %dma_start3A_72 = tpu.memref_squeeze %dma_start3A_71 : memref<1x625x64xf32, #tpu.memory_space<hbm>> -> memref<625x64xf32, #tpu.memory_space<hbm>>
      %dma_start3A_73 = arith.constant 0 : i32
      %dma_start3A_74 = tpu.memref_slice %arg12[%mul3A_66, %dma_start3A_73] : memref<10000x64xf32, #tpu.memory_space<vmem_shared>> -> memref<625x64xf32, #tpu.memory_space<vmem_shared>>
      tpu.enqueue_dma source(%dma_start3A_74 : memref<625x64xf32, #tpu.memory_space<vmem_shared>>) target(%dma_start3A_72 : memref<625x64xf32, #tpu.memory_space<hbm>>) target_semaphore(%run_scoped3A_69 : memref<!tpu.dma_semaphore, #tpu.memory_space<semaphore_mem>>)
      %dma_wait3A_75 = arith.constant 0 : i32
      %dma_wait3A_76 = tpu.memref_slice %arg4[%arg0, %mul3A_68, %dma_wait3A_75] : memref<2x10000x128xf32, #tpu.memory_space<hbm>> -> memref<1x625x64xf32, #tpu.memory_space<hbm>>
      %dma_wait3A_77 = tpu.memref_squeeze %dma_wait3A_76 : memref<1x625x64xf32, #tpu.memory_space<hbm>> -> memref<625x64xf32, #tpu.memory_space<hbm>>
      %dma_wait3A_78 = arith.constant 0 : i32
      %dma_wait3A_79 = tpu.memref_slice %arg12[%mul3A_66, %dma_wait3A_78] : memref<10000x64xf32, #tpu.memory_space<vmem_shared>> -> memref<625x64xf32, #tpu.memory_space<vmem_shared>>
      tpu.wait_dma2 semaphore(%run_scoped3A_69 : memref<!tpu.dma_semaphore, #tpu.memory_space<semaphore_mem>>) src(%dma_wait3A_79 : memref<625x64xf32, #tpu.memory_space<vmem_shared>>) dst(%dma_wait3A_77 : memref<625x64xf32, #tpu.memory_space<hbm>>)
      tpu.yield
    }) : () -> ()
    "tpu.region"() ({
      %run_scoped3A_69 = tpu.sem_alloc : memref<!tpu.dma_semaphore, #tpu.memory_space<semaphore_mem>>
      %dma_start3A_70 = arith.constant 0 : i32
      %dma_start3A_71 = tpu.memref_slice %arg5[%add3A_34, %dma_start3A_70] : memref<32x10240xf32, #tpu.memory_space<hbm>> -> memref<1x10240xf32, #tpu.memory_space<hbm>>
      %dma_start3A_72 = tpu.memref_squeeze %dma_start3A_71 : memref<1x10240xf32, #tpu.memory_space<hbm>> -> memref<10240xf32, #tpu.memory_space<hbm>>
      %dma_start3A_73 = arith.constant 0 : i32
      %dma_start3A_74 = tpu.memref_slice %arg5[%add3A_34, %dma_start3A_73] : memref<32x10240xf32, #tpu.memory_space<hbm>> -> memref<1x10240xf32, #tpu.memory_space<hbm>>
      %dma_start3A_75 = tpu.memref_squeeze %dma_start3A_74 : memref<1x10240xf32, #tpu.memory_space<hbm>> -> memref<10240xf32, #tpu.memory_space<hbm>>
      tpu.enqueue_dma source(%arg11 : memref<10240xf32, #tpu.memory_space<vmem>>) target(%dma_start3A_75 : memref<10240xf32, #tpu.memory_space<hbm>>) target_semaphore(%run_scoped3A_69 : memref<!tpu.dma_semaphore, #tpu.memory_space<semaphore_mem>>)
      %dma_wait3A_76 = arith.constant 0 : i32
      %dma_wait3A_77 = tpu.memref_slice %arg5[%add3A_34, %dma_wait3A_76] : memref<32x10240xf32, #tpu.memory_space<hbm>> -> memref<1x10240xf32, #tpu.memory_space<hbm>>
      %dma_wait3A_78 = tpu.memref_squeeze %dma_wait3A_77 : memref<1x10240xf32, #tpu.memory_space<hbm>> -> memref<10240xf32, #tpu.memory_space<hbm>>
      %dma_wait3A_79 = arith.constant 0 : i32
      %dma_wait3A_80 = tpu.memref_slice %arg5[%add3A_34, %dma_wait3A_79] : memref<32x10240xf32, #tpu.memory_space<hbm>> -> memref<1x10240xf32, #tpu.memory_space<hbm>>
      %dma_wait3A_81 = tpu.memref_squeeze %dma_wait3A_80 : memref<1x10240xf32, #tpu.memory_space<hbm>> -> memref<10240xf32, #tpu.memory_space<hbm>>
      tpu.wait_dma2 semaphore(%run_scoped3A_69 : memref<!tpu.dma_semaphore, #tpu.memory_space<semaphore_mem>>) src(%arg11 : memref<10240xf32, #tpu.memory_space<vmem>>) dst(%dma_wait3A_81 : memref<10240xf32, #tpu.memory_space<hbm>>)
      tpu.yield
    }) : () -> ()
    return
  }
}

module attributes {stable_mosaic.version = 14 : i64} {
  func.func @_front_body(%arg0: i32, %arg1: memref<512x128xf32, #tpu.memory_space<vmem>>, %arg2: memref<128x128xf32, #tpu.memory_space<vmem>>, %arg3: memref<128x128xf32, #tpu.memory_space<vmem>>, %arg4: memref<128xf32, #tpu.memory_space<vmem>>, %arg5: memref<512x64xf32, #tpu.memory_space<vmem>>, %arg6: memref<512x64xf32, #tpu.memory_space<vmem>>, %arg7: memref<512x128xf32, #tpu.memory_space<vmem>>) attributes {dimension_semantics = [#tpu.dimension_semantics<arbitrary>], iteration_bounds = array<i64: 20>, scalar_prefetch = 0 : i64, scratch_operands = 0 : i64, tpu.core_type = #tpu.core_type<tc>, window_params = [{transform_indices = @transform_0, window_bounds = array<i64: 512, 128>}, {pipeline_mode = #tpu.pipeline_mode<synchronous>, transform_indices = @transform_1, window_bounds = array<i64: 128, 128>}, {pipeline_mode = #tpu.pipeline_mode<synchronous>, transform_indices = @transform_2, window_bounds = array<i64: 128, 128>}, {pipeline_mode = #tpu.pipeline_mode<synchronous>, transform_indices = @transform_3, window_bounds = array<i64: 128>}, {transform_indices = @transform_4, window_bounds = array<i64: 512, 64>}, {transform_indices = @transform_5, window_bounds = array<i64: 512, 64>}, {transform_indices = @transform_6, window_bounds = array<i64: 512, 128>}]} {
    %get3A = arith.constant 0 : index
    %get3A_0 = arith.constant 0 : index
    %get3A_1 = vector.load %arg1[%get3A, %get3A_0] : memref<512x128xf32, #tpu.memory_space<vmem>>, vector<512x128xf32>
    %get3A_2 = arith.constant 0 : index
    %get3A_3 = arith.constant 0 : index
    %get3A_4 = vector.load %arg2[%get3A_2, %get3A_3] : memref<128x128xf32, #tpu.memory_space<vmem>>, vector<128x128xf32>
    %dot_general3A = arith.constant dense<0.000000e+00> : vector<512x128xf32>
    %dot_general3A_5 = tpu.matmul %get3A_1, %get3A_4, %dot_general3A {dimension_numbers = #tpu.dot_dimension_numbers<[1], [0], [0], [1], [0, 0, 1, 1], [], []>, transpose_lhs_hint = false} : vector<512x128xf32>, vector<128x128xf32>, vector<512x128xf32> -> vector<512x128xf32>
    %slice3A = vector.extract_strided_slice %dot_general3A_5 {offsets = [0, 0], sizes = [512, 64], strides = [1, 1]} : vector<512x128xf32> to vector<512x64xf32>
    %swap3A = arith.constant 0 : index
    %swap3A_6 = arith.constant 0 : index
    %swap3A_7 = vector.load %arg5[%swap3A, %swap3A_6] : memref<512x64xf32, #tpu.memory_space<vmem>>, vector<512x64xf32>
    tpu.vector_store %arg5[%swap3A, %swap3A_6], %slice3A {strides = array<i32>} : memref<512x64xf32, #tpu.memory_space<vmem>>, vector<512x64xf32>,
    %slice3A_8 = vector.extract_strided_slice %dot_general3A_5 {offsets = [0, 64], sizes = [512, 64], strides = [1, 1]} : vector<512x128xf32> to vector<512x64xf32>
    %swap3A_9 = arith.constant 0 : index
    %swap3A_10 = arith.constant 0 : index
    %swap3A_11 = vector.load %arg6[%swap3A_9, %swap3A_10] : memref<512x64xf32, #tpu.memory_space<vmem>>, vector<512x64xf32>
    tpu.vector_store %arg6[%swap3A_9, %swap3A_10], %slice3A_8 {strides = array<i32>} : memref<512x64xf32, #tpu.memory_space<vmem>>, vector<512x64xf32>,
    %get3A_12 = arith.constant 0 : index
    %get3A_13 = arith.constant 0 : index
    %get3A_14 = vector.load %arg3[%get3A_12, %get3A_13] : memref<128x128xf32, #tpu.memory_space<vmem>>, vector<128x128xf32>
    %dot_general3A_15 = arith.constant dense<0.000000e+00> : vector<512x128xf32>
    %dot_general3A_16 = tpu.matmul %get3A_1, %get3A_14, %dot_general3A_15 {dimension_numbers = #tpu.dot_dimension_numbers<[1], [0], [0], [1], [0, 0, 1, 1], [], []>, transpose_lhs_hint = false} : vector<512x128xf32>, vector<128x128xf32>, vector<512x128xf32> -> vector<512x128xf32>
    %get3A_17 = arith.constant 0 : index
    %get3A_18 = vector.load %arg4[%get3A_17] : memref<128xf32, #tpu.memory_space<vmem>>, vector<128xf32>
    %broadcast_in_dim3A = vector.shape_cast %get3A_18 : vector<128xf32> to vector<1x128xf32>
    %add3A = vector.broadcast %broadcast_in_dim3A : vector<1x128xf32> to vector<512x128xf32>
    %add3A_19 = arith.addf %dot_general3A_16, %add3A : vector<512x128xf32>
    %swap3A_20 = arith.constant 0 : index
    %swap3A_21 = arith.constant 0 : index
    %swap3A_22 = vector.load %arg7[%swap3A_20, %swap3A_21] : memref<512x128xf32, #tpu.memory_space<vmem>>, vector<512x128xf32>
    tpu.vector_store %arg7[%swap3A_20, %swap3A_21], %add3A_19 {strides = array<i32>} : memref<512x128xf32, #tpu.memory_space<vmem>>, vector<512x128xf32>,
    return
  }
  func.func @transform_0(%arg0: i32) -> (i32, i32) {
    %c0_i32 = arith.constant 0 : i32
    %c0_i32_0 = arith.constant 0 : i32
    return %arg0, %c0_i32 : i32, i32
  }
  func.func @transform_1(%arg0: i32) -> (i32, i32) {
    %c0_i32 = arith.constant 0 : i32
    %c0_i32_0 = arith.constant 0 : i32
    %c0_i32_1 = arith.constant 0 : i32
    return %c0_i32, %c0_i32_0 : i32, i32
  }
  func.func @transform_2(%arg0: i32) -> (i32, i32) {
    %c0_i32 = arith.constant 0 : i32
    %c0_i32_0 = arith.constant 0 : i32
    %c0_i32_1 = arith.constant 0 : i32
    return %c0_i32, %c0_i32_0 : i32, i32
  }
  func.func @transform_3(%arg0: i32) -> i32 {
    %c0_i32 = arith.constant 0 : i32
    %c0_i32_0 = arith.constant 0 : i32
    return %c0_i32 : i32
  }
  func.func @transform_4(%arg0: i32) -> (i32, i32) {
    %c0_i32 = arith.constant 0 : i32
    %c0_i32_0 = arith.constant 0 : i32
    return %arg0, %c0_i32 : i32, i32
  }
  func.func @transform_5(%arg0: i32) -> (i32, i32) {
    %c0_i32 = arith.constant 0 : i32
    %c0_i32_0 = arith.constant 0 : i32
    return %arg0, %c0_i32 : i32, i32
  }
  func.func @transform_6(%arg0: i32) -> (i32, i32) {
    %c0_i32 = arith.constant 0 : i32
    %c0_i32_0 = arith.constant 0 : i32
    return %arg0, %c0_i32 : i32, i32
  }
}

module attributes {stable_mosaic.version = 14 : i64} {
  func.func @_mid_body(%arg0: i32, %arg1: memref<2x512x128xf32, #tpu.memory_space<vmem>>, %arg2: memref<32x512xf32, #tpu.memory_space<vmem>>, %arg3: memref<512x128xf32, #tpu.memory_space<vmem>>, %arg4: memref<128x64xf32, #tpu.memory_space<vmem>>, %arg5: memref<128x64xf32, #tpu.memory_space<vmem>>, %arg6: memref<64xf32, #tpu.memory_space<vmem>>, %arg7: memref<512x64xf32, #tpu.memory_space<vmem>>, %arg8: memref<512x64xf32, #tpu.memory_space<vmem>>) attributes {dimension_semantics = [#tpu.dimension_semantics<arbitrary>], iteration_bounds = array<i64: 20>, scalar_prefetch = 0 : i64, scratch_operands = 0 : i64, tpu.core_type = #tpu.core_type<tc>, window_params = [{transform_indices = @transform_0, window_bounds = array<i64: 2, 512, 128>}, {transform_indices = @transform_1, window_bounds = array<i64: 32, 512>}, {transform_indices = @transform_2, window_bounds = array<i64: 512, 128>}, {pipeline_mode = #tpu.pipeline_mode<synchronous>, transform_indices = @transform_3, window_bounds = array<i64: 128, 64>}, {pipeline_mode = #tpu.pipeline_mode<synchronous>, transform_indices = @transform_4, window_bounds = array<i64: 128, 64>}, {pipeline_mode = #tpu.pipeline_mode<synchronous>, transform_indices = @transform_5, window_bounds = array<i64: 64>}, {transform_indices = @transform_6, window_bounds = array<i64: 512, 64>}, {transform_indices = @transform_7, window_bounds = array<i64: 512, 64>}]} {
    %get3A = arith.constant 0 : index
    %get3A_0 = arith.constant 0 : index
    %get3A_1 = vector.load %arg2[%get3A, %get3A_0] : memref<32x512xf32, #tpu.memory_space<vmem>>, vector<32x512xf32>
    %reduce_sum3A = arith.constant dense<0.000000e+00> : vector<512xf32>
    %reduce_sum3A_2 = vector.multi_reduction <add>, %get3A_1, %reduce_sum3A [0] : vector<32x512xf32> to vector<512xf32>
    %max3A = arith.constant 1.000000e+00 : f32
    %max3A_3 = vector.broadcast %max3A : f32 to vector<512xf32>
    %max3A_4 = arith.maximumf %reduce_sum3A_2, %max3A_3 : vector<512xf32>
    %div3A = arith.constant 1.000000e+00 : f32
    %div3A_5 = vector.broadcast %div3A : f32 to vector<512xf32>
    %div3A_6 = arith.divf %div3A_5, %max3A_4 : vector<512xf32>
    %broadcast_in_dim3A = vector.shape_cast %div3A_6 : vector<512xf32> to vector<512x1xf32>
    %get3A_7 = arith.constant 0 : index
    %get3A_8 = arith.constant 0 : index
    %get3A_9 = arith.constant 0 : index
    %get3A_10 = vector.load %arg1[%get3A_7, %get3A_8, %get3A_9] : memref<2x512x128xf32, #tpu.memory_space<vmem>>, vector<1x512x128xf32>
    %get3A_11 = vector.shape_cast %get3A_10 : vector<1x512x128xf32> to vector<512x128xf32>
    %get3A_12 = arith.constant 1 : index
    %get3A_13 = arith.constant 0 : index
    %get3A_14 = arith.constant 0 : index
    %get3A_15 = vector.load %arg1[%get3A_12, %get3A_13, %get3A_14] : memref<2x512x128xf32, #tpu.memory_space<vmem>>, vector<1x512x128xf32>
    %get3A_16 = vector.shape_cast %get3A_15 : vector<1x512x128xf32> to vector<512x128xf32>
    %add3A = arith.addf %get3A_11, %get3A_16 : vector<512x128xf32>
    %mul3A = vector.broadcast %broadcast_in_dim3A : vector<512x1xf32> to vector<512x128xf32>
    %mul3A_17 = arith.mulf %add3A, %mul3A : vector<512x128xf32>
    %get3A_18 = arith.constant 0 : index
    %get3A_19 = arith.constant 0 : index
    %get3A_20 = vector.load %arg3[%get3A_18, %get3A_19] : memref<512x128xf32, #tpu.memory_space<vmem>>, vector<512x128xf32>
    %add3A_21 = arith.addf %mul3A_17, %get3A_20 : vector<512x128xf32>
    %max3A_22 = arith.constant 0.000000e+00 : f32
    %max3A_23 = vector.broadcast %max3A_22 : f32 to vector<512x128xf32>
    %max3A_24 = arith.maximumf %add3A_21, %max3A_23 : vector<512x128xf32>
    %get3A_25 = arith.constant 0 : index
    %get3A_26 = arith.constant 0 : index
    %get3A_27 = vector.load %arg4[%get3A_25, %get3A_26] : memref<128x64xf32, #tpu.memory_space<vmem>>, vector<128x64xf32>
    %dot_general3A = arith.constant dense<0.000000e+00> : vector<512x64xf32>
    %dot_general3A_28 = tpu.matmul %max3A_24, %get3A_27, %dot_general3A {dimension_numbers = #tpu.dot_dimension_numbers<[1], [0], [0], [1], [0, 0, 1, 1], [], []>, transpose_lhs_hint = false} : vector<512x128xf32>, vector<128x64xf32>, vector<512x64xf32> -> vector<512x64xf32>
    %swap3A = arith.constant 0 : index
    %swap3A_29 = arith.constant 0 : index
    %swap3A_30 = vector.load %arg7[%swap3A, %swap3A_29] : memref<512x64xf32, #tpu.memory_space<vmem>>, vector<512x64xf32>
    tpu.vector_store %arg7[%swap3A, %swap3A_29], %dot_general3A_28 {strides = array<i32>} : memref<512x64xf32, #tpu.memory_space<vmem>>, vector<512x64xf32>,
    %get3A_31 = arith.constant 0 : index
    %get3A_32 = arith.constant 0 : index
    %get3A_33 = vector.load %arg5[%get3A_31, %get3A_32] : memref<128x64xf32, #tpu.memory_space<vmem>>, vector<128x64xf32>
    %dot_general3A_34 = arith.constant dense<0.000000e+00> : vector<512x64xf32>
    %dot_general3A_35 = tpu.matmul %max3A_24, %get3A_33, %dot_general3A_34 {dimension_numbers = #tpu.dot_dimension_numbers<[1], [0], [0], [1], [0, 0, 1, 1], [], []>, transpose_lhs_hint = false} : vector<512x128xf32>, vector<128x64xf32>, vector<512x64xf32> -> vector<512x64xf32>
    %get3A_36 = arith.constant 0 : index
    %get3A_37 = vector.load %arg6[%get3A_36] : memref<64xf32, #tpu.memory_space<vmem>>, vector<64xf32>
    %broadcast_in_dim3A_38 = vector.shape_cast %get3A_37 : vector<64xf32> to vector<1x64xf32>
    %add3A_39 = vector.broadcast %broadcast_in_dim3A_38 : vector<1x64xf32> to vector<512x64xf32>
    %add3A_40 = arith.addf %dot_general3A_35, %add3A_39 : vector<512x64xf32>
    %swap3A_41 = arith.constant 0 : index
    %swap3A_42 = arith.constant 0 : index
    %swap3A_43 = vector.load %arg8[%swap3A_41, %swap3A_42] : memref<512x64xf32, #tpu.memory_space<vmem>>, vector<512x64xf32>
    tpu.vector_store %arg8[%swap3A_41, %swap3A_42], %add3A_40 {strides = array<i32>} : memref<512x64xf32, #tpu.memory_space<vmem>>, vector<512x64xf32>,
    return
  }
  func.func @transform_0(%arg0: i32) -> (i32, i32, i32) {
    %c0_i32 = arith.constant 0 : i32
    %c0_i32_0 = arith.constant 0 : i32
    %c0_i32_1 = arith.constant 0 : i32
    return %c0_i32, %arg0, %c0_i32_0 : i32, i32, i32
  }
  func.func @transform_1(%arg0: i32) -> (i32, i32) {
    %c0_i32 = arith.constant 0 : i32
    %c0_i32_0 = arith.constant 0 : i32
    return %c0_i32, %arg0 : i32, i32
  }
  func.func @transform_2(%arg0: i32) -> (i32, i32) {
    %c0_i32 = arith.constant 0 : i32
    %c0_i32_0 = arith.constant 0 : i32
    return %arg0, %c0_i32 : i32, i32
  }
  func.func @transform_3(%arg0: i32) -> (i32, i32) {
    %c0_i32 = arith.constant 0 : i32
    %c0_i32_0 = arith.constant 0 : i32
    %c0_i32_1 = arith.constant 0 : i32
    return %c0_i32, %c0_i32_0 : i32, i32
  }
  func.func @transform_4(%arg0: i32) -> (i32, i32) {
    %c0_i32 = arith.constant 0 : i32
    %c0_i32_0 = arith.constant 0 : i32
    %c0_i32_1 = arith.constant 0 : i32
    return %c0_i32, %c0_i32_0 : i32, i32
  }
  func.func @transform_5(%arg0: i32) -> i32 {
    %c0_i32 = arith.constant 0 : i32
    %c0_i32_0 = arith.constant 0 : i32
    return %c0_i32 : i32
  }
  func.func @transform_6(%arg0: i32) -> (i32, i32) {
    %c0_i32 = arith.constant 0 : i32
    %c0_i32_0 = arith.constant 0 : i32
    return %arg0, %c0_i32 : i32, i32
  }
  func.func @transform_7(%arg0: i32) -> (i32, i32) {
    %c0_i32 = arith.constant 0 : i32
    %c0_i32_0 = arith.constant 0 : i32
    return %arg0, %c0_i32 : i32, i32
  }
}

module attributes {stable_mosaic.version = 14 : i64} {
  func.func @_back_body(%arg0: i32, %arg1: memref<2x512x128xf32, #tpu.memory_space<vmem>>, %arg2: memref<32x512xf32, #tpu.memory_space<vmem>>, %arg3: memref<512x64xf32, #tpu.memory_space<vmem>>, %arg4: memref<64x40xf32, #tpu.memory_space<vmem>>, %arg5: memref<40xf32, #tpu.memory_space<vmem>>, %arg6: memref<512x40xf32, #tpu.memory_space<vmem>>) attributes {dimension_semantics = [#tpu.dimension_semantics<arbitrary>], iteration_bounds = array<i64: 20>, scalar_prefetch = 0 : i64, scratch_operands = 0 : i64, tpu.core_type = #tpu.core_type<tc>, window_params = [{transform_indices = @transform_0, window_bounds = array<i64: 2, 512, 128>}, {transform_indices = @transform_1, window_bounds = array<i64: 32, 512>}, {transform_indices = @transform_2, window_bounds = array<i64: 512, 64>}, {pipeline_mode = #tpu.pipeline_mode<synchronous>, transform_indices = @transform_3, window_bounds = array<i64: 64, 40>}, {pipeline_mode = #tpu.pipeline_mode<synchronous>, transform_indices = @transform_4, window_bounds = array<i64: 40>}, {transform_indices = @transform_5, window_bounds = array<i64: 512, 40>}]} {
    %get3A = arith.constant 0 : index
    %get3A_0 = arith.constant 0 : index
    %get3A_1 = vector.load %arg2[%get3A, %get3A_0] : memref<32x512xf32, #tpu.memory_space<vmem>>, vector<32x512xf32>
    %reduce_sum3A = arith.constant dense<0.000000e+00> : vector<512xf32>
    %reduce_sum3A_2 = vector.multi_reduction <add>, %get3A_1, %reduce_sum3A [0] : vector<32x512xf32> to vector<512xf32>
    %max3A = arith.constant 1.000000e+00 : f32
    %max3A_3 = vector.broadcast %max3A : f32 to vector<512xf32>
    %max3A_4 = arith.maximumf %reduce_sum3A_2, %max3A_3 : vector<512xf32>
    %div3A = arith.constant 1.000000e+00 : f32
    %div3A_5 = vector.broadcast %div3A : f32 to vector<512xf32>
    %div3A_6 = arith.divf %div3A_5, %max3A_4 : vector<512xf32>
    %get3A_7 = arith.constant 0 : index
    %get3A_8 = arith.constant 0 : index
    %get3A_9 = arith.constant 0 : index
    %get3A_10 = vector.load %arg1[%get3A_7, %get3A_8, %get3A_9] : memref<2x512x128xf32, #tpu.memory_space<vmem>>, vector<1x512x64xf32>
    %get3A_11 = vector.shape_cast %get3A_10 : vector<1x512x64xf32> to vector<512x64xf32>
    %get3A_12 = arith.constant 1 : index
    %get3A_13 = arith.constant 0 : index
    %get3A_14 = arith.constant 0 : index
    %get3A_15 = vector.load %arg1[%get3A_12, %get3A_13, %get3A_14] : memref<2x512x128xf32, #tpu.memory_space<vmem>>, vector<1x512x64xf32>
    %get3A_16 = vector.shape_cast %get3A_15 : vector<1x512x64xf32> to vector<512x64xf32>
    %add3A = arith.addf %get3A_11, %get3A_16 : vector<512x64xf32>
    %broadcast_in_dim3A = vector.shape_cast %div3A_6 : vector<512xf32> to vector<512x1xf32>
    %mul3A = vector.broadcast %broadcast_in_dim3A : vector<512x1xf32> to vector<512x64xf32>
    %mul3A_17 = arith.mulf %add3A, %mul3A : vector<512x64xf32>
    %get3A_18 = arith.constant 0 : index
    %get3A_19 = arith.constant 0 : index
    %get3A_20 = vector.load %arg3[%get3A_18, %get3A_19] : memref<512x64xf32, #tpu.memory_space<vmem>>, vector<512x64xf32>
    %add3A_21 = arith.addf %mul3A_17, %get3A_20 : vector<512x64xf32>
    %max3A_22 = arith.constant 0.000000e+00 : f32
    %max3A_23 = vector.broadcast %max3A_22 : f32 to vector<512x64xf32>
    %max3A_24 = arith.maximumf %add3A_21, %max3A_23 : vector<512x64xf32>
    %get3A_25 = arith.constant 0 : index
    %get3A_26 = arith.constant 0 : index
    %get3A_27 = vector.load %arg4[%get3A_25, %get3A_26] : memref<64x40xf32, #tpu.memory_space<vmem>>, vector<64x40xf32>
    %dot_general3A = arith.constant dense<0.000000e+00> : vector<512x40xf32>
    %dot_general3A_28 = tpu.matmul %max3A_24, %get3A_27, %dot_general3A {dimension_numbers = #tpu.dot_dimension_numbers<[1], [0], [0], [1], [0, 0, 1, 1], [], []>, transpose_lhs_hint = false} : vector<512x64xf32>, vector<64x40xf32>, vector<512x40xf32> -> vector<512x40xf32>
    %get3A_29 = arith.constant 0 : index
    %get3A_30 = vector.load %arg5[%get3A_29] : memref<40xf32, #tpu.memory_space<vmem>>, vector<40xf32>
    %broadcast_in_dim3A_31 = vector.shape_cast %get3A_30 : vector<40xf32> to vector<1x40xf32>
    %add3A_32 = vector.broadcast %broadcast_in_dim3A_31 : vector<1x40xf32> to vector<512x40xf32>
    %add3A_33 = arith.addf %dot_general3A_28, %add3A_32 : vector<512x40xf32>
    %swap3A = arith.constant 0 : index
    %swap3A_34 = arith.constant 0 : index
    %swap3A_35 = vector.load %arg6[%swap3A, %swap3A_34] : memref<512x40xf32, #tpu.memory_space<vmem>>, vector<512x40xf32>
    tpu.vector_store %arg6[%swap3A, %swap3A_34], %add3A_33 {strides = array<i32>} : memref<512x40xf32, #tpu.memory_space<vmem>>, vector<512x40xf32>,
    return
  }
  func.func @transform_0(%arg0: i32) -> (i32, i32, i32) {
    %c0_i32 = arith.constant 0 : i32
    %c0_i32_0 = arith.constant 0 : i32
    %c0_i32_1 = arith.constant 0 : i32
    return %c0_i32, %arg0, %c0_i32_0 : i32, i32, i32
  }
  func.func @transform_1(%arg0: i32) -> (i32, i32) {
    %c0_i32 = arith.constant 0 : i32
    %c0_i32_0 = arith.constant 0 : i32
    return %c0_i32, %arg0 : i32, i32
  }
  func.func @transform_2(%arg0: i32) -> (i32, i32) {
    %c0_i32 = arith.constant 0 : i32
    %c0_i32_0 = arith.constant 0 : i32
    return %arg0, %c0_i32 : i32, i32
  }
  func.func @transform_3(%arg0: i32) -> (i32, i32) {
    %c0_i32 = arith.constant 0 : i32
    %c0_i32_0 = arith.constant 0 : i32
    %c0_i32_1 = arith.constant 0 : i32
    return %c0_i32, %c0_i32_0 : i32, i32
  }
  func.func @transform_4(%arg0: i32) -> i32 {
    %c0_i32 = arith.constant 0 : i32
    %c0_i32_0 = arith.constant 0 : i32
    return %c0_i32 : i32
  }
  func.func @transform_5(%arg0: i32) -> (i32, i32) {
    %c0_i32 = arith.constant 0 : i32
    %c0_i32_0 = arith.constant 0 : i32
    return %arg0, %c0_i32 : i32, i32
  }
}

</mosaic_0001>

<sc_bundles>
// kernel: kernel.10.cloned.1.call-start
scs
__scs_entry_jumppad:
0x0: {  	(pc) =	sbr.rel $0x88, $3  }
0x1: {  	(tag) =	ssettag $0x0;
	lr =	simm.s32 $0x1  }
0x2: {  	[smem:$0x3F97] =	sst lr;
	_ =	strace $0xD0000000  }
0x3: {  	_ = 	snop  }
0x4: {  	_ = 	snop  }
0x5: {  	_ = 	snop  }
0x6: {  	_ = 	snop  }
0x7: {  	_ = 	snop  }
__scs_overlays_trampoline_lowered:
0x8: {  	[smem:$0x3FA6] =	sst s0  }
0x9: {  	[smem:$0x3FA7] =	sst s1  }
0xa: {  	[smem:$0x3FA8] =	sst s2  }
0xb: {  	[smem:$0x3FA9] =	sst s3  }
0xc: {  	[smem:$0x3FAA] =	sst s4  }
0xd: {  	[smem:$0x3FAB] =	sst s5  }
0xe: {  	[smem:$0x3FAC] =	sst s6  }
0xf: {  	[smem:$0x3FAD] =	sst s7  }
0x10: {  	[smem:$0x3FAE] =	sst s8  }
0x11: {  	[smem:$0x3FAF] =	sst s9;
	s0 =	simm.s32 @!p0 $0x0  }
0x12: {  	s1 =	sld [smem:$0x3F95];
	s0 =	simm.s32 @p0 $0x1  }
0x13: {  	[smem:$0x3FB0] =	sst s0;
	s0 =	simm.s32 @!p1 $0x0  }
0x14: {  	s2 =	sld [smem:$0x3F94];
	s0 =	simm.s32 @p1 $0x1  }
0x15: {  	[smem:$0x3FB1] =	sst s0;
	s0 =	simm.s32 @!p2 $0x0  }
0x16: {  	s3 =	sld [smem:$0x3FDB];
	s0 =	simm.s32 @p2 $0x1  }
0x17: {  	s4 =	simm.s32 $0x1BF5;
	[smem:$0x3FB3] =	sst s0  }
0x18: {  	s0 =	sld [smem:$0x3F96];
	_ =	swait.ge [sflag:s4], $0x0  }
0x19: {  	s7 =	sld [smem:$0x3F97]  }
0x1a: {  	s8 =	sadd.s32 $0xFFFFE003, lr  }
0x1b: {  	s9 =	sadd.s32 $0xFFFFFEF7, lr;
	s5 =	simm.s32 $0xFFFFFFFF;
	p2 =	slt.u32 s8, $0xFFFFF086  }
0x1c: {  	p1 =	slt.u32 s9, $0xF7A;
	s5 =	simm.s32 @!p2 $0x0  }
0x1d: {  	s5 =	simm.s32 @p1 $0x1;
	p0 =	seq.s32 s7, s2  }
0x1e: {  	s7 =	smul.u32 @!p0 $0xF7A, s2;
	p2 =	seq.s32 @!p0 s5, $0x0  }
0x1f: {  	s9 =	smul.u32 $0xF7A, s1;
	s8 =	simm.s32 @!p0 $0x1BF5;
	p2 =	por !p2, p0  }
0x20: {  	[sflag:s8] =	ssyncset.s32 @!p0 $0xFFFFF086;
	s6 =	sadd.s32 @!p0 s3, s7;
	s7 =	simm.s32 @!p0 $0x108  }
0x21: {  	s3 =	sadd.s32 s3, s9;
	s6 =	sadd.s32 @!p0 $0x88, s6;
	s7 =	simm.s32 @p2 $0x1082  }
0x22: {  	[simem:s7], [sflag:s8] =	dma.local @!p0 [hbm:s6], $0xF7A  }
0x23: {  	s9 =	sor.u32 $0xD0000000, s2;
	s6 =	simm.s32 $0x108;
	_ =	swait.ge @!p0 [sflag:s8], $0x0  }
0x24: {  	s3 =	sadd.s32 $0x88, s3;
	s6 =	simm.s32 @!p1 $0x1082;
	[sflag:s4] =	ssyncset.s32 $0xFFFFF086  }
0x25: {  	[simem:s6], [sflag:s4] =	dma.local [hbm:s3], $0xF7A  }
0x26: {  	[smem:$0x3F97] =	sst s1;
	(tag) =	ssettag s2;
	_ =	strace s9  }
0x27: {  	s1 =	sld [smem:$0x3FA7]  }
0x28: {  	s2 =	sld [smem:$0x3FA8]  }
0x29: {  	s4 =	sld [smem:$0x3FAA]  }
0x2a: {  	p0 =	seq.s32 s5, $0x0;
	s5 =	sld [smem:$0x3FAB]  }
0x2b: {  	s6 =	sld [smem:$0x3FAC]  }
0x2c: {  	s7 =	sld [smem:$0x3FAD]  }
0x2d: {  	s3 =	simm.s32 $0x108;
	s8 =	sld [smem:$0x3FAE]  }
0x2e: {  	s3 =	simm.s32 @!p0 $0x1082;
	s9 =	sld [smem:$0x3FAF]  }
0x2f: {  	lr =	sadd.s32 s0, s3;
	s0 =	sld [smem:$0x3FA6]  }
0x30: {  	s3 =	sld [smem:$0x3FA9]  }
0x31: {  	[smem:$0x3FB2] =	sst s10  }
0x32: {  	s10 =	sld [smem:$0x3FB0];
	_ =	sdelay $0x3  }
0x33: {  	p0 =	seq.s32 s10, $0x1;
	s10 =	sld [smem:$0x3FB2];
	_ =	sdelay $0x3  }
0x34: {  	[smem:$0x3FB2] =	sst s10  }
0x35: {  	s10 =	sld [smem:$0x3FB1];
	_ =	sdelay $0x3  }
0x36: {  	p1 =	seq.s32 s10, $0x1;
	s10 =	sld [smem:$0x3FB2];
	_ =	sdelay $0x3  }
0x37: {  	[smem:$0x3FB2] =	sst s10  }
0x38: {  	s10 =	sld [smem:$0x3FB3]  }
0x39: {  	_ = 	snop;
	(pc) =	sbr.ind lr, $3  }
0x3a: {  	_ = 	snop  }
0x3b: {  	_ = 	snop  }
0x3c: {  	p2 =	seq.s32 s10, $0x1;
	s10 =	sld [smem:$0x3FB2]  }
0x3d: {  	_ =	shalt  }
0x3e: {  	_ =	shalt  }
0x3f: {  	_ =	shalt  }
0x40: {  	_ =	shalt  }
0x41: {  	_ =	shalt  }
0x42: {  	_ =	shalt  }
0x43: {  	_ =	shalt  }
0x44: {  	_ =	shalt  }
0x45: {  	_ =	shalt  }
0x46: {  	_ =	shalt  }
0x47: {  	_ =	shalt  }
0x48: {  	_ =	shalt  }
0x49: {  	_ =	shalt  }
0x4a: {  	_ =	shalt  }
0x4b: {  	_ =	shalt  }
0x4c: {  	_ =	shalt  }
0x4d: {  	_ =	shalt  }
0x4e: {  	_ =	shalt  }
0x4f: {  	_ =	shalt  }
0x50: {  	_ =	shalt  }
0x51: {  	_ =	shalt  }
0x52: {  	_ =	shalt  }
0x53: {  	_ =	shalt  }
0x54: {  	_ =	shalt  }
0x55: {  	_ =	shalt  }
0x56: {  	_ =	shalt  }
0x57: {  	_ =	shalt  }
0x58: {  	_ =	shalt  }
0x59: {  	_ =	shalt  }
0x5a: {  	_ =	shalt  }
0x5b: {  	_ =	shalt  }
0x5c: {  	_ =	shalt  }
0x5d: {  	_ =	shalt  }
0x5e: {  	_ =	shalt  }
0x5f: {  	_ =	shalt  }
0x60: {  	_ =	shalt  }
0x61: {  	_ =	shalt  }
0x62: {  	_ =	shalt  }
0x63: {  	_ =	shalt  }
0x64: {  	_ =	shalt  }
0x65: {  	_ =	shalt  }
0x66: {  	_ =	shalt  }
0x67: {  	_ =	shalt  }
0x68: {  	_ =	shalt  }
0x69: {  	_ =	shalt  }
0x6a: {  	_ =	shalt  }
0x6b: {  	_ =	shalt  }
0x6c: {  	_ =	shalt  }
0x6d: {  	_ =	shalt  }
0x6e: {  	_ =	shalt  }
0x6f: {  	_ =	shalt  }
0x70: {  	_ =	shalt  }
0x71: {  	_ =	shalt  }
0x72: {  	_ =	shalt  }
0x73: {  	_ =	shalt  }
0x74: {  	_ =	shalt  }
0x75: {  	_ =	shalt  }
0x76: {  	_ =	shalt  }
0x77: {  	_ =	shalt  }
0x78: {  	_ =	shalt  }
0x79: {  	_ =	shalt  }
0x7a: {  	_ =	shalt  }
0x7b: {  	_ =	shalt  }
0x7c: {  	_ =	shalt  }
0x7d: {  	_ =	shalt  }
0x7e: {  	_ =	shalt  }
0x7f: {  	_ =	shalt  }
0x80: {  	_ =	shalt  }
0x81: {  	_ =	shalt  }
0x82: {  	_ =	shalt  }
0x83: {  	_ =	shalt  }
0x84: {  	_ =	shalt  }
0x85: {  	_ =	shalt  }
0x86: {  	_ =	shalt  }
0x87: {  	_ =	shalt  }
.Lfunc_end0:
.L_simem_size_0:
called_computation.1_lowered:
.L_overlay_start_0:
0x88: {  	s2 =	sld [smem:$0x3FD9]  }
0x89: {  	s3 =	sld [smem:$0x3FFE];
	_ =	sdelay $0x1  }
0x8a: {  	s1 =	srdreg.scid  }
0x8b: {  	s0 =	sand.u32 $0x1, s1  }
0x8c: {  	s17 =	sshll.u32 s0, $0xA;
	s2 =	sadd.s32 s3, s2  }
0x8d: {  	s2 =	sadd.s32 s2, s17  }
0x8e: {  	[smem:$0x3FBE] =	sst s2  }
0x8f: {  	_ = 	snop  }
0x90: {  	s2 =	sld [smem:$0x3FD0];
	(tm) =	ssettm $0x1  }
0x91: {  	s18 =	sld [smem:$0x3FFB];
	_ =	sdelay $0x3  }
0x92: {  	_ =	strace s18  }
0x93: {  	s3 =	sld [smem:$0x3FFC];
	_ =	sdelay $0x3  }
0x94: {  	_ =	strace s3  }
0x95: {  	s3 =	sld [smem:$0x3FFD];
	_ =	sdelay $0x3  }
0x96: {  	_ =	strace s3  }
0x97: {  	_ =	strace $0x8FFFFFFF  }
0x98: {  	s19 =	sld [smem:$0x3FDB];
	_ =	sdelay $0x1  }
0x99: {  	s4 =	simm.s32 $_scs_section_size  }
0x9a: {  	s5 =	simm.s32 $_size__tile_overlayer_lowered;
	s6 =	simm.s32 $_tile_overlayer_lowered  }
0x9b: {  	s22 =	simm.s32 $0x1BFF;
	s21 =	sshll.u32 s6, $0x1;
	s3 =	sadd.s32 s4, s19  }
0x9c: {  	s7 =	simm.s32 $0x0;
	s20 =	sshll.u32 s5, $0x1;
	s5 =	sadd.s32 s21, s3  }
0x9d: {  	[timem:s7], [sflag:s22] =	dma.local [hbm:s5], s20  }
0x9e: {  	_ =	swait.ge [sflag:s22], s20  }
0x9f: {  	s4 =	ssub.s32 $0x0, s20;
	[sflag:s22] =	ssyncset.done $0x0  }
0xa0: {  	[sflag:s22] =	ssyncadd.s32 s4;
	_ =	sdelay $0x1  }
0xa1: {  	s23 =	simm.s32 $0x1B8B  }
0xa2: {  	_ =	swait.ge [sflag:s23], $0x1  }
0xa3: {  	[sflag:s23] =	ssyncset.done $0x0  }
0xa4: {  	s25 =	simm.s32 $0x1B8E;
	s24 =	sld [smem:$0x3FFE];
	[sflag:s23] =	ssyncadd.s32 $0xFFFFFFFF  }
0xa5: {  	s26 =	simm.s32 $execute0_lowered;
	[smem:$0x3FD2] =	sst s25  }
0xa6: {  	s5 =	sshll.u32 s26, $0x1;
	_ =	strace $0x80000049;
	[dreg:$0x1] =	wrdreg $0xFFFFFFFF  }
0xa7: {  	s28 =	simm.s32 $_size_execute0_lowered;
	s3 =	sadd.s32 s3, s5;
	[dreg:$0x0] =	wrdreg $0x0  }
0xa8: {  	s5 =	sshll.u32 s28, $0x1;
	[dreg:$0x2] =	wrdreg s3  }
0xa9: {  	[dreg:$0x3] =	wrdreg s5  }
0xaa: {  	[dreg:$0x4] =	wrdreg $0xC0  }
0xab: {  	_ =	task [dreg:s7], $0x5FFFF  }
0xac: {  	[dreg:$0x1] =	wrdreg $0xFFFFFFFF  }
0xad: {  	[dreg:$0x0] =	wrdreg $0x60  }
0xae: {  	[dreg:$0x2] =	wrdreg s24  }
0xaf: {  	[dreg:$0x3] =	wrdreg s2  }
0xb0: {  	[dreg:$0x4] =	wrdreg $0x15D600  }
0xb1: {  	[dreg:$0x5] =	wrdreg $0x9  }
0xb2: {  	_ =	task.clear_ibuf [dreg:s7], $0x6FFFF;
	_ =	strace $0x90000049  }
0xb3: {  	s29 =	simm.s32 $0x9;
	_ =	strace $0x8000004B  }
0xb4: {  	_ =	swait.ge [sflag:s29], $0x1  }
0xb5: {  	[sflag:s29] =	ssyncadd.s32 $0xFFFFFFFF  }
0xb6: {  	_ =	strace $0x9000004B  }
0xb7: {  	_ =	sfence  }
0xb8: {  	s30 =	sld [smem:$0x0];
	_ =	sdelay $0x2  }
0xb9: {  	s31 =	sshll.u32 s1, $0xD;
	s1 =	sshrl.u32 s1, $0x2  }
0xba: {  	s3 =	sand.u32 $0x4000, s31;
	s1 =	sadd.s32 s1, s30  }
0xbb: {  	s0 =	sor.u32 s3, s0;
	s1 =	sshll.u32 s1, $0x11  }
0xbc: {  	s0 =	sor.u32 s1, s0  }
0xbd: {  	s0 =	sadd.s32 $0x8F2B, s0  }
0xbe: {  	[sflag:s0] =	ssyncadd.remote.s32 $0x1  }
0xbf: {  	_ =	sfence.sel $0xFFFF  }
0xc0: {  	[dreg:$0x0] =	wrdreg $0xFFFFFFFF;
	(pc) =	sbr.abs _section_cstart, $3  }
0xc1: {  	[dreg:$0x1] =	wrdreg $0xFFFFFFFF  }
0xc2: {  	_ =	task.clear_ibuf [dreg:s7], $0x2FFFF;
	_ =	strace $0x9FFFFFFF  }
0xc3: {  	(tm) =	ssettm $0x7FFFFFFF  }
tec
execute0_lowered:
.L_overlay_start_1:
0x0: {  	(tag) =	ssettag $0x1  }
0x1: {  	s0 =	srdreg.scid;
	s3 =	rddreg [dreg:$0x0]  }
0x2: {  	s23 =	stileid.u32;
	s13 =	rddreg [dreg:$0x1]  }
0x3: {  	s6 =	simm.s32 $0x0;
	s15 =	simm.s32 $0x11620;
	s16 =	simm.s32 $0x5  }
0x4: {  	s17 =	simm.s32 $0x2710;
	s18 =	simm.s32 $0x190;
	s19 =	simm.s32 $0x4E20  }
0x5: {  	s20 =	simm.s32 $0xB220;
	s21 =	simm.s32 $0x13560;
	s22 =	simm.s32 $0x1  }
0x6: {  	s28 =	simm.s32 $0x4C90;
	s29 =	simm.s32 $0x10;
	s30 =	simm.s32 $0x8  }
0x7: {  	s31 =	simm.s32 $0x0;
	s1 =	sand.u32 $0x1, s0;
	s24 =	smul.u32 $0x13880, s23  }
0x8: {  	[smem:$0x7FF] =	sst s6;
	s8 =	smul.u32 $0x27100, s23;
	s2 =	sshll.u32 s1, $0x4  }
0x9: {  	s5 =	smul.u32 $0x138800, s1;
	s1 =	ssub.s32 $0x2, s1;
	s10 =	sor.u32 s23, s2  }
0xa: {  	s2 =	rddreg [dreg:$0x2];
	_ =	strace $0x8000004A;
	s25 =	sshrl.u32 s8, $0x2  }
0xb: {  	s26 =	sshrl.u32 s1, $0x1;
	s23 =	simm.s32 $0x2;
	s4 =	smul.u32 $0x2710, s10  }
0xc: {  	s5 =	sadd.s32 s24, s5;
	s1 =	ssub.s32 s1, s26;
	s14 =	smul.u32 $0x500, s10  }
0xd: {  	s24 =	simm.s32 $0x3;
	s26 =	simm.s32 $0x2580;
	s5 =	sshrl.u32 s5, $0x3  }
0xe: {  	s7 =	sshrl.u32 s4, $0x3;
	s4 =	sadd.s32 $0x2A00, s3;
	s13 =	sadd.s32 s13, s14  }
0xf: {  	s11 =	sadd.s32 s7, s3;
	s3 =	sadd.s32 s5, s3;
	s5 =	sadd.s32 s25, s2  }
0x10: {  	s14 =	smax.u32 s1, $0x1;
	s25 =	simm.s32 $0x4;
	s6 =	sadd.s32 $0x1F40, s5  }
0x11: {  	s7 =	sadd.s32 $0x3E80, s5;
	s8 =	sadd.s32 $0x5DC0, s5;
	s9 =	sadd.s32 $0x7D00, s5  }
0x12: {  	v0 =	vimm.f32 $0.0e+00;
	v1 =	vimm.f32 $1.000000000e+00;
	s10 =	sadd.s32 $0x29E00, s11;
	s11 =	sadd.s32 $0x33A40, s11;
	s12 =	sadd.s32 $0x3D800, s3  }
.LBB2_1:
0x13: {  	s3 =	simm.s32 $0x100;
	s1 =	simm.s32 $0x0  }
.LBB2_2:
0x14: {  	p0 =	sne.s32 s3, $0x7C00;
	[tilespmem:s1+$0x11650] =	vst v0;
	s0 =	smov.u32 s3;
	s3 =	sadd.s32 $0x100, s3  }
.Ltmp0:
0x15: {  	[tilespmem:s1+$0x11640] =	vst v0;
	(pc) =	sbr.rel @p0 .LBB2_2-.Ltmp0, $3  }
0x16: {  	[tilespmem:s1+$0x11620] =	vst v0  }
0x17: {  	[tilespmem:s1+$0x11630] =	vst v0;
	_ =	sdelay $0x1  }
0x18: {  	s1 =	sshra.s32 s0, $0x2  }
0x19: {  	[tilespmem:s1+$0x11650] =	vst v0  }
0x1a: {  	[tilespmem:s1+$0x11640] =	vst v0  }
0x1b: {  	[tilespmem:s1+$0x11620] =	vst v0  }
0x1c: {  	[tilespmem:s1+$0x11630] =	vst v0  }
0x1d: {  	[spmem:s5] =	stream.linear.scatter [tilespmem:s15], [sflag:$0x5], $0x1F40, $0x38;
	[tilespmem:$0x1F9A0] =	vst v63  }
0x1e: {  	_ =	swait.ge [sflag:s16], $0x1F40  }
0x1f: {  	[sflag:s16] =	ssyncset.done $0x0  }
0x20: {  	[sflag:s16] =	ssyncadd.s32 $0xFFFFE0C0  }
0x21: {  	[spmem:s6] =	stream.linear.scatter [tilespmem:s15], [sflag:$0x5], $0x1F40, $0x38;
	[tilespmem:$0x1F9A0] =	vst v63  }
0x22: {  	_ =	swait.ge [sflag:s16], $0x1F40  }
0x23: {  	[sflag:s16] =	ssyncset.done $0x0  }
0x24: {  	[sflag:s16] =	ssyncadd.s32 $0xFFFFE0C0  }
0x25: {  	[spmem:s7] =	stream.linear.scatter [tilespmem:s15], [sflag:$0x5], $0x1F40, $0x38;
	[tilespmem:$0x1F9A0] =	vst v63  }
0x26: {  	_ =	swait.ge [sflag:s16], $0x1F40  }
0x27: {  	[sflag:s16] =	ssyncset.done $0x0  }
0x28: {  	[sflag:s16] =	ssyncadd.s32 $0xFFFFE0C0  }
0x29: {  	[spmem:s8] =	stream.linear.scatter [tilespmem:s15], [sflag:$0x5], $0x1F40, $0x38;
	[tilespmem:$0x1F9A0] =	vst v63  }
0x2a: {  	_ =	swait.ge [sflag:s16], $0x1F40  }
0x2b: {  	[sflag:s16] =	ssyncset.done $0x0  }
0x2c: {  	[sflag:s16] =	ssyncadd.s32 $0xFFFFE0C0  }
0x2d: {  	[spmem:s9] =	stream.linear.scatter [tilespmem:s15], [sflag:$0x5], $0x1F40, $0x38;
	[tilespmem:$0x1F9A0] =	vst v63  }
0x2e: {  	_ =	swait.ge [sflag:s16], $0x1F40  }
0x2f: {  	[sflag:s16] =	ssyncset.done $0x0  }
0x30: {  	s1 =	simm.s32 $0x40;
	s3 =	simm.s32 $0x0;
	[sflag:s16] =	ssyncadd.s32 $0xFFFFE0C0  }
.LBB2_4:
0x31: {  	p0 =	sne.s32 s1, $0x9FC0;
	[tilespmem:s3+$0x13560] =	vst v0;
	s0 =	smov.u32 s1;
	s1 =	sadd.s32 $0x40, s1  }
.Ltmp1:
0x32: {  	(pc) =	sbr.rel @p0 .LBB2_4-.Ltmp1, $2  }
0x33: {  	_ =	sdelay $0x2  }
0x34: {  	s3 =	sshra.s32 s0, $0x2  }
0x35: {  	[tilespmem:s3+$0x13560] =	vst v0;
	s1 =	simm.s32 $0x0  }
0x36: {  	[tilespmem:s1], [sflag:$0x5] =	stream.linear.gather [hbm4b:s10+s1], $0x2710, $0x38;
	[tilespmem:$0x1F9A0] =	vst v63  }
0x37: {  	_ =	swait.ge [sflag:s16], $0x2710  }
0x38: {  	[sflag:s16] =	ssyncset.done $0x0  }
0x39: {  	[sflag:s16] =	ssyncadd.s32 $0xFFFFD8F0  }
0x3a: {  	[tilespmem:s17], [sflag:$0x5] =	stream.linear.gather [hbm4b:s11+s1], $0x2710, $0x38;
	[tilespmem:$0x1F9A0] =	vst v63  }
0x3b: {  	_ =	swait.ge [sflag:s16], $0x2710  }
0x3c: {  	[sflag:s16] =	ssyncset.done $0x0  }
0x3d: {  	[sflag:s16] =	ssyncadd.s32 $0xFFFFD8F0  }
0x3e: {  	[bflag:$0x0] =	sbarrier.arrive $0xFFFF  }
.LBB2_6:
0x3f: {  	s3 =	sshra.s32 s1, $0x2  }
0x40: {  	[tilespmem:s19], [sflag:$0x1] =	stream.indirect.gather [hbm4b:s4+s18], $0x40, s3, s18, $0xb8;
	[tilespmem:$0x1F9A0] =	vst v63  }
0x41: {  	s0 =	sadd.s32 $0x190, s3  }
0x42: {  	[tilespmem:s20], [sflag:$0x2] =	stream.indirect.gather [hbm4b:s4+s18], $0x40, s0, s18, $0xb8;
	[tilespmem:$0x1F9A0] =	vst v63  }
0x43: {  	v2 =	vld [tilespmem:s3+$0x2710];
	_ =	sdelay $0x7  }
0x44: {  	[tilespmem:v2+s21+$0x0] =	vst.idx.add.f32.msk $0xffff, v1  }
0x45: {  	v2 =	vld [tilespmem:s3+$0x2720];
	_ =	sdelay $0x7  }
0x46: {  	[tilespmem:v2+s21+$0x0] =	vst.idx.add.f32.msk $0xffff, v1  }
0x47: {  	v2 =	vld [tilespmem:s3+$0x2730];
	_ =	sdelay $0x7  }
0x48: {  	[tilespmem:v2+s21+$0x0] =	vst.idx.add.f32.msk $0xffff, v1  }
0x49: {  	v2 =	vld [tilespmem:s3+$0x2740];
	_ =	sdelay $0x7  }
0x4a: {  	[tilespmem:v2+s21+$0x0] =	vst.idx.add.f32.msk $0xffff, v1  }
0x4b: {  	v2 =	vld [tilespmem:s3+$0x2750];
	_ =	sdelay $0x7  }
0x4c: {  	[tilespmem:v2+s21+$0x0] =	vst.idx.add.f32.msk $0xffff, v1  }
0x4d: {  	v2 =	vld [tilespmem:s3+$0x2760];
	_ =	sdelay $0x7  }
0x4e: {  	[tilespmem:v2+s21+$0x0] =	vst.idx.add.f32.msk $0xffff, v1  }
0x4f: {  	v2 =	vld [tilespmem:s3+$0x2770];
	_ =	sdelay $0x7  }
0x50: {  	[tilespmem:v2+s21+$0x0] =	vst.idx.add.f32.msk $0xffff, v1  }
0x51: {  	v2 =	vld [tilespmem:s3+$0x2780];
	_ =	sdelay $0x7  }
0x52: {  	[tilespmem:v2+s21+$0x0] =	vst.idx.add.f32.msk $0xffff, v1  }
0x53: {  	v2 =	vld [tilespmem:s3+$0x2790];
	_ =	sdelay $0x7  }
0x54: {  	[tilespmem:v2+s21+$0x0] =	vst.idx.add.f32.msk $0xffff, v1  }
0x55: {  	v2 =	vld [tilespmem:s3+$0x27A0];
	_ =	sdelay $0x7  }
0x56: {  	[tilespmem:v2+s21+$0x0] =	vst.idx.add.f32.msk $0xffff, v1  }
0x57: {  	v2 =	vld [tilespmem:s3+$0x27B0];
	_ =	sdelay $0x7  }
0x58: {  	[tilespmem:v2+s21+$0x0] =	vst.idx.add.f32.msk $0xffff, v1  }
0x59: {  	v2 =	vld [tilespmem:s3+$0x27C0];
	_ =	sdelay $0x7  }
0x5a: {  	[tilespmem:v2+s21+$0x0] =	vst.idx.add.f32.msk $0xffff, v1  }
0x5b: {  	v2 =	vld [tilespmem:s3+$0x27D0];
	_ =	sdelay $0x7  }
0x5c: {  	[tilespmem:v2+s21+$0x0] =	vst.idx.add.f32.msk $0xffff, v1  }
0x5d: {  	v2 =	vld [tilespmem:s3+$0x27E0];
	_ =	sdelay $0x7  }
0x5e: {  	[tilespmem:v2+s21+$0x0] =	vst.idx.add.f32.msk $0xffff, v1  }
0x5f: {  	v2 =	vld [tilespmem:s3+$0x27F0];
	_ =	sdelay $0x7  }
0x60: {  	[tilespmem:v2+s21+$0x0] =	vst.idx.add.f32.msk $0xffff, v1  }
0x61: {  	v2 =	vld [tilespmem:s3+$0x2800];
	_ =	sdelay $0x7  }
0x62: {  	[tilespmem:v2+s21+$0x0] =	vst.idx.add.f32.msk $0xffff, v1  }
0x63: {  	v2 =	vld [tilespmem:s3+$0x2810];
	_ =	sdelay $0x7  }
0x64: {  	[tilespmem:v2+s21+$0x0] =	vst.idx.add.f32.msk $0xffff, v1  }
0x65: {  	v2 =	vld [tilespmem:s3+$0x2820];
	_ =	sdelay $0x7  }
0x66: {  	[tilespmem:v2+s21+$0x0] =	vst.idx.add.f32.msk $0xffff, v1  }
0x67: {  	v2 =	vld [tilespmem:s3+$0x2830];
	_ =	sdelay $0x7  }
0x68: {  	[tilespmem:v2+s21+$0x0] =	vst.idx.add.f32.msk $0xffff, v1  }
0x69: {  	v2 =	vld [tilespmem:s3+$0x2840];
	_ =	sdelay $0x7  }
0x6a: {  	[tilespmem:v2+s21+$0x0] =	vst.idx.add.f32.msk $0xffff, v1  }
0x6b: {  	v2 =	vld [tilespmem:s3+$0x2850];
	_ =	sdelay $0x7  }
0x6c: {  	[tilespmem:v2+s21+$0x0] =	vst.idx.add.f32.msk $0xffff, v1  }
0x6d: {  	v2 =	vld [tilespmem:s3+$0x2860];
	_ =	sdelay $0x7  }
0x6e: {  	[tilespmem:v2+s21+$0x0] =	vst.idx.add.f32.msk $0xffff, v1  }
0x6f: {  	v2 =	vld [tilespmem:s3+$0x2870];
	_ =	sdelay $0x7  }
0x70: {  	[tilespmem:v2+s21+$0x0] =	vst.idx.add.f32.msk $0xffff, v1  }
0x71: {  	v2 =	vld [tilespmem:s3+$0x2880];
	_ =	sdelay $0x7  }
0x72: {  	[tilespmem:v2+s21+$0x0] =	vst.idx.add.f32.msk $0xffff, v1  }
0x73: {  	v2 =	vld [tilespmem:s3+$0x2890];
	_ =	sdelay $0x7  }
0x74: {  	[tilespmem:v2+s21+$0x0] =	vst.idx.add.f32.msk $0xffff, v1  }
0x75: {  	_ =	swait.ge [sflag:s22], $0x6400  }
0x76: {  	[sflag:s22] =	ssyncset.done $0x0  }
0x77: {  	s0 =	sadd.s32 $0x2710, s3;
	[sflag:s22] =	ssyncadd.s32 $0xFFFF9C00  }
0x78: {  	[spmem:s2] =	stream.indirect.scatter.add.f32 [tilespmem:s19], [sflag:$0x3], $0x40, s0, s18, $0xb8;
	[tilespmem:$0x1F9A0] =	vst v63  }
0x79: {  	v2 =	vld [tilespmem:s3+$0x28A0];
	_ =	sdelay $0x7  }
0x7a: {  	[tilespmem:v2+s21+$0x0] =	vst.idx.add.f32.msk $0xffff, v1  }
0x7b: {  	v2 =	vld [tilespmem:s3+$0x28B0];
	_ =	sdelay $0x7  }
0x7c: {  	[tilespmem:v2+s21+$0x0] =	vst.idx.add.f32.msk $0xffff, v1  }
0x7d: {  	v2 =	vld [tilespmem:s3+$0x28C0];
	_ =	sdelay $0x7  }
0x7e: {  	[tilespmem:v2+s21+$0x0] =	vst.idx.add.f32.msk $0xffff, v1  }
0x7f: {  	v2 =	vld [tilespmem:s3+$0x28D0];
	_ =	sdelay $0x7  }
0x80: {  	[tilespmem:v2+s21+$0x0] =	vst.idx.add.f32.msk $0xffff, v1  }
0x81: {  	v2 =	vld [tilespmem:s3+$0x28E0];
	_ =	sdelay $0x7  }
0x82: {  	[tilespmem:v2+s21+$0x0] =	vst.idx.add.f32.msk $0xffff, v1  }
0x83: {  	v2 =	vld [tilespmem:s3+$0x28F0];
	_ =	sdelay $0x7  }
0x84: {  	[tilespmem:v2+s21+$0x0] =	vst.idx.add.f32.msk $0xffff, v1  }
0x85: {  	v2 =	vld [tilespmem:s3+$0x2900];
	_ =	sdelay $0x7  }
0x86: {  	[tilespmem:v2+s21+$0x0] =	vst.idx.add.f32.msk $0xffff, v1  }
0x87: {  	v2 =	vld [tilespmem:s3+$0x2910];
	_ =	sdelay $0x7  }
0x88: {  	[tilespmem:v2+s21+$0x0] =	vst.idx.add.f32.msk $0xffff, v1  }
0x89: {  	v2 =	vld [tilespmem:s3+$0x2920];
	_ =	sdelay $0x7  }
0x8a: {  	[tilespmem:v2+s21+$0x0] =	vst.idx.add.f32.msk $0xffff, v1  }
0x8b: {  	v2 =	vld [tilespmem:s3+$0x2930];
	_ =	sdelay $0x7  }
0x8c: {  	[tilespmem:v2+s21+$0x0] =	vst.idx.add.f32.msk $0xffff, v1  }
0x8d: {  	v2 =	vld [tilespmem:s3+$0x2940];
	_ =	sdelay $0x7  }
0x8e: {  	[tilespmem:v2+s21+$0x0] =	vst.idx.add.f32.msk $0xffff, v1  }
0x8f: {  	v2 =	vld [tilespmem:s3+$0x2950];
	_ =	sdelay $0x7  }
0x90: {  	[tilespmem:v2+s21+$0x0] =	vst.idx.add.f32.msk $0xffff, v1  }
0x91: {  	v2 =	vld [tilespmem:s3+$0x2960];
	_ =	sdelay $0x7  }
0x92: {  	[tilespmem:v2+s21+$0x0] =	vst.idx.add.f32.msk $0xffff, v1  }
0x93: {  	v2 =	vld [tilespmem:s3+$0x2970];
	_ =	sdelay $0x7  }
0x94: {  	[tilespmem:v2+s21+$0x0] =	vst.idx.add.f32.msk $0xffff, v1  }
0x95: {  	v2 =	vld [tilespmem:s3+$0x2980];
	_ =	sdelay $0x7  }
0x96: {  	[tilespmem:v2+s21+$0x0] =	vst.idx.add.f32.msk $0xffff, v1  }
0x97: {  	v2 =	vld [tilespmem:s3+$0x2990];
	_ =	sdelay $0x7  }
0x98: {  	[tilespmem:v2+s21+$0x0] =	vst.idx.add.f32.msk $0xffff, v1  }
0x99: {  	v2 =	vld [tilespmem:s3+$0x29A0];
	_ =	sdelay $0x7  }
0x9a: {  	[tilespmem:v2+s21+$0x0] =	vst.idx.add.f32.msk $0xffff, v1  }
0x9b: {  	v2 =	vld [tilespmem:s3+$0x29B0];
	_ =	sdelay $0x7  }
0x9c: {  	[tilespmem:v2+s21+$0x0] =	vst.idx.add.f32.msk $0xffff, v1  }
0x9d: {  	v2 =	vld [tilespmem:s3+$0x29C0];
	_ =	sdelay $0x7  }
0x9e: {  	[tilespmem:v2+s21+$0x0] =	vst.idx.add.f32.msk $0xffff, v1  }
0x9f: {  	v2 =	vld [tilespmem:s3+$0x29D0];
	_ =	sdelay $0x7  }
0xa0: {  	[tilespmem:v2+s21+$0x0] =	vst.idx.add.f32.msk $0xffff, v1  }
0xa1: {  	v2 =	vld [tilespmem:s3+$0x29E0];
	_ =	sdelay $0x7  }
0xa2: {  	[tilespmem:v2+s21+$0x0] =	vst.idx.add.f32.msk $0xffff, v1  }
0xa3: {  	v2 =	vld [tilespmem:s3+$0x29F0];
	_ =	sdelay $0x7  }
0xa4: {  	[tilespmem:v2+s21+$0x0] =	vst.idx.add.f32.msk $0xffff, v1  }
0xa5: {  	v2 =	vld [tilespmem:s3+$0x2A00];
	_ =	sdelay $0x7  }
0xa6: {  	[tilespmem:v2+s21+$0x0] =	vst.idx.add.f32.msk $0xffff, v1  }
0xa7: {  	v2 =	vld [tilespmem:s3+$0x2A10];
	_ =	sdelay $0x7  }
0xa8: {  	[tilespmem:v2+s21+$0x0] =	vst.idx.add.f32.msk $0xffff, v1  }
0xa9: {  	v2 =	vld [tilespmem:s3+$0x2A20];
	_ =	sdelay $0x7  }
0xaa: {  	[tilespmem:v2+s21+$0x0] =	vst.idx.add.f32.msk $0xffff, v1  }
0xab: {  	_ =	swait.ge [sflag:s23], $0x6400  }
0xac: {  	[sflag:s23] =	ssyncset.done $0x0  }
0xad: {  	s3 =	sadd.s32 $0x28A0, s3;
	[sflag:s23] =	ssyncadd.s32 $0xFFFF9C00  }
0xae: {  	[spmem:s2] =	stream.indirect.scatter.add.f32 [tilespmem:s20], [sflag:$0x4], $0x40, s3, s18, $0xb8;
	[tilespmem:$0x1F9A0] =	vst v63  }
0xaf: {  	p0 =	sne.s32 s1, $0x8980;
	_ =	swait.ge [sflag:s24], $0x6400  }
.Ltmp2:
0xb0: {  	[sflag:s24] =	ssyncset.done $0x0;
	(pc) =	sbr.rel @p0 .LBB2_6-.Ltmp2, $4  }
0xb1: {  	[sflag:s24] =	ssyncadd.s32 $0xFFFF9C00  }
0xb2: {  	_ =	swait.ge [sflag:s25], $0x6400  }
0xb3: {  	[sflag:s25] =	ssyncset.done $0x0  }
0xb4: {  	s1 =	sadd.s32 $0xC80, s1;
	[sflag:s25] =	ssyncadd.s32 $0xFFFF9C00  }
0xb5: {  	[tilespmem:s19], [sflag:$0x1] =	stream.indirect.gather [hbm4b:s4+s18], $0x40, s26, s18, $0xb8;
	[tilespmem:$0x1F9A0] =	vst v63  }
0xb6: {  	v2 =	vld [tilespmem:$0x4C90];
	_ =	sdelay $0x7  }
0xb7: {  	[tilespmem:v2+s21+$0x0] =	vst.idx.add.f32.msk $0xffff, v1  }
0xb8: {  	v2 =	vld [tilespmem:$0x4CA0];
	_ =	sdelay $0x7  }
0xb9: {  	[tilespmem:v2+s21+$0x0] =	vst.idx.add.f32.msk $0xffff, v1  }
0xba: {  	v2 =	vld [tilespmem:$0x4CB0];
	_ =	sdelay $0x7  }
0xbb: {  	[tilespmem:v2+s21+$0x0] =	vst.idx.add.f32.msk $0xffff, v1  }
0xbc: {  	v2 =	vld [tilespmem:$0x4CC0];
	_ =	sdelay $0x7  }
0xbd: {  	[tilespmem:v2+s21+$0x0] =	vst.idx.add.f32.msk $0xffff, v1  }
0xbe: {  	v2 =	vld [tilespmem:$0x4CD0];
	_ =	sdelay $0x7  }
0xbf: {  	[tilespmem:v2+s21+$0x0] =	vst.idx.add.f32.msk $0xffff, v1  }
0xc0: {  	v2 =	vld [tilespmem:$0x4CE0];
	_ =	sdelay $0x7  }
0xc1: {  	[tilespmem:v2+s21+$0x0] =	vst.idx.add.f32.msk $0xffff, v1  }
0xc2: {  	v2 =	vld [tilespmem:$0x4CF0];
	_ =	sdelay $0x7  }
0xc3: {  	[tilespmem:v2+s21+$0x0] =	vst.idx.add.f32.msk $0xffff, v1  }
0xc4: {  	v2 =	vld [tilespmem:$0x4D00];
	_ =	sdelay $0x7  }
0xc5: {  	[tilespmem:v2+s21+$0x0] =	vst.idx.add.f32.msk $0xffff, v1  }
0xc6: {  	v2 =	vld [tilespmem:$0x4D10];
	_ =	sdelay $0x7  }
0xc7: {  	[tilespmem:v2+s21+$0x0] =	vst.idx.add.f32.msk $0xffff, v1  }
0xc8: {  	v2 =	vld [tilespmem:$0x4D20];
	_ =	sdelay $0x7  }
0xc9: {  	[tilespmem:v2+s21+$0x0] =	vst.idx.add.f32.msk $0xffff, v1  }
0xca: {  	v2 =	vld [tilespmem:$0x4D30];
	_ =	sdelay $0x7  }
0xcb: {  	[tilespmem:v2+s21+$0x0] =	vst.idx.add.f32.msk $0xffff, v1  }
0xcc: {  	v2 =	vld [tilespmem:$0x4D40];
	_ =	sdelay $0x7  }
0xcd: {  	[tilespmem:v2+s21+$0x0] =	vst.idx.add.f32.msk $0xffff, v1  }
0xce: {  	v2 =	vld [tilespmem:$0x4D50];
	_ =	sdelay $0x7  }
0xcf: {  	[tilespmem:v2+s21+$0x0] =	vst.idx.add.f32.msk $0xffff, v1  }
0xd0: {  	v2 =	vld [tilespmem:$0x4D60];
	_ =	sdelay $0x7  }
0xd1: {  	[tilespmem:v2+s21+$0x0] =	vst.idx.add.f32.msk $0xffff, v1  }
0xd2: {  	v2 =	vld [tilespmem:$0x4D70];
	_ =	sdelay $0x7  }
0xd3: {  	[tilespmem:v2+s21+$0x0] =	vst.idx.add.f32.msk $0xffff, v1  }
0xd4: {  	v2 =	vld [tilespmem:$0x4D80];
	_ =	sdelay $0x7  }
0xd5: {  	[tilespmem:v2+s21+$0x0] =	vst.idx.add.f32.msk $0xffff, v1  }
0xd6: {  	v2 =	vld [tilespmem:$0x4D90];
	_ =	sdelay $0x7  }
0xd7: {  	[tilespmem:v2+s21+$0x0] =	vst.idx.add.f32.msk $0xffff, v1  }
0xd8: {  	v2 =	vld [tilespmem:$0x4DA0];
	_ =	sdelay $0x7  }
0xd9: {  	[tilespmem:v2+s21+$0x0] =	vst.idx.add.f32.msk $0xffff, v1  }
0xda: {  	v2 =	vld [tilespmem:$0x4DB0];
	_ =	sdelay $0x7  }
0xdb: {  	[tilespmem:v2+s21+$0x0] =	vst.idx.add.f32.msk $0xffff, v1  }
0xdc: {  	v2 =	vld [tilespmem:$0x4DC0];
	_ =	sdelay $0x7  }
0xdd: {  	[tilespmem:v2+s21+$0x0] =	vst.idx.add.f32.msk $0xffff, v1  }
0xde: {  	v2 =	vld [tilespmem:$0x4DD0];
	_ =	sdelay $0x7  }
0xdf: {  	[tilespmem:v2+s21+$0x0] =	vst.idx.add.f32.msk $0xffff, v1  }
0xe0: {  	v2 =	vld [tilespmem:$0x4DE0];
	_ =	sdelay $0x7  }
0xe1: {  	[tilespmem:v2+s21+$0x0] =	vst.idx.add.f32.msk $0xffff, v1  }
0xe2: {  	v2 =	vld [tilespmem:$0x4DF0];
	_ =	sdelay $0x7  }
0xe3: {  	[tilespmem:v2+s21+$0x0] =	vst.idx.add.f32.msk $0xffff, v1  }
0xe4: {  	v2 =	vld [tilespmem:$0x4E00];
	_ =	sdelay $0x7  }
0xe5: {  	[tilespmem:v2+s21+$0x0] =	vst.idx.add.f32.msk $0xffff, v1  }
0xe6: {  	v2 =	vld [tilespmem:$0x4E10];
	_ =	sdelay $0x7  }
0xe7: {  	[tilespmem:v2+s21+$0x0] =	vst.idx.add.f32.msk $0xffff, v1  }
0xe8: {  	_ =	swait.ge [sflag:s22], $0x6400  }
0xe9: {  	[sflag:s22] =	ssyncset.done $0x0  }
0xea: {  	[sflag:s22] =	ssyncadd.s32 $0xFFFF9C00  }
0xeb: {  	[spmem:s2] =	stream.indirect.scatter.add.f32 [tilespmem:s19], [sflag:$0x5], $0x40, s28, s18, $0xb8;
	[tilespmem:$0x1F9A0] =	vst v63  }
0xec: {  	_ =	swait.ge [sflag:s16], $0x6400  }
0xed: {  	s0 =	stileid.u32;
	[sflag:s16] =	ssyncset.done $0x0  }
0xee: {  	s0 =	sshll.u32 s0, $0x6;
	[sflag:s16] =	ssyncadd.s32 $0xFFFF9C00  }
0xef: {  	s1 =	sshrl.u32 s5, $0x3;
	s0 =	sor.u32 $0x1C05, s0;
	[bflag:$0x0] =	sbarrier.arrive $0xFFFF  }
0xf0: {  	[hbm:s12@s29], [sflag:s0] =	dma.strided [spmem:s1@s30], $0x1388, s22, $0x8   }
0xf1: {  	s31 =	sadd.s32 $0x1, s31;
	_ =	swait.ge [sflag:s16], $0x1388  }
0xf2: {  	p0 =	sne.s32 s31, s14;
	[sflag:s16] =	ssyncset.done $0x0  }
.Ltmp3:
0xf3: {  	s3 =	simm.s32 $0x0;
	[sflag:s16] =	ssyncadd.s32 $0xFFFFEC78;
	(pc) =	sbr.rel @p0 .LBB2_1-.Ltmp3, $4  }
0xf4: {  	[hbm4b:s13+s3] =	stream.linear.scatter [tilespmem:s21], [sflag:$0x5], $0x2800, $0x38;
	[tilespmem:$0x1F9A0] =	vst v63  }
0xf5: {  	_ =	swait.ge [sflag:s16], $0x2800  }
0xf6: {  	[sflag:s16] =	ssyncset.done $0x0  }
0xf7: {  	[sflag:s16] =	ssyncadd.s32 $0xFFFFD800  }
0xf8: {  	_ =	sfence.sel $0x180000  }
0xf9: {  	[bflag:$0x0] =	sbarrier.arrive $0xFFFF  }
0xfa: {  	_ =	strace $0x9000004A  }
0xfb: {  	s0 =	stileid.u32;
	[bflag:$0x2] =	sbarrier.arrive $0xFFFF  }
0xfc: {  	p0 =	sne.s32 s0, $0x0;
	s0 =	rddreg [dreg:$0x3]  }
0xfd: {  	s0 =	sadd.s32 @!p0 $0x100000, s0  }
0xfe: {  	[sflag:s0] =	ssyncadd.tile.s32 @!p0 $0x1;
	_ =	shalt  }
.Lfunc_end2:
_tile_overlayer_lowered:
.L_overlay_start_2:
0xff: {  	(tag) =	ssettag $0x2  }
0x100: {  	s0 =	rddreg [dreg:$0x0];
	s2 =	stileid.u32  }
0x101: {  	s1 =	rddreg [dreg:$0x1];
	p0 =	sne.s32 s2, $0x0  }
0x102: {  	s3 =	rddreg [dreg:$0x2];
	[bflag:$0x3] =	sbarrier.arrive $0xFFFF;
	s2 =	simm.s32 @!p0 $0x1C05  }
0x103: {  	[timem:s3], [sflag:s2] =	dma.local @!p0 [hbm:s0], s1  }
0x104: {  	s0 =	simm.s32 @!p0 $0x5  }
0x105: {  	_ =	swait.ge @!p0 [sflag:s0], s1  }
0x106: {  	s1 =	ssub.s32 @!p0 $0x0, s1;
	[sflag:s0] =	ssyncset.done @!p0 $0x0  }
0x107: {  	[sflag:s0] =	ssyncadd.s32 @!p0 s1  }
0x108: {  	[bflag:$0x3] =	sbarrier.arrive $0xFFFF  }
0x109: {  	_ =	shalt  }

// kernel: kernel.7.cloned.1.call-start
scs
__scs_entry_jumppad:
0x0: {  	(pc) =	sbr.rel $0x88, $3  }
0x1: {  	(tag) =	ssettag $0x0;
	lr =	simm.s32 $0x1  }
0x2: {  	[smem:$0x3F97] =	sst lr;
	_ =	strace $0xD0000000  }
0x3: {  	_ = 	snop  }
0x4: {  	_ = 	snop  }
0x5: {  	_ = 	snop  }
0x6: {  	_ = 	snop  }
0x7: {  	_ = 	snop  }
__scs_overlays_trampoline_lowered:
0x8: {  	[smem:$0x3FA6] =	sst s0  }
0x9: {  	[smem:$0x3FA7] =	sst s1  }
0xa: {  	[smem:$0x3FA8] =	sst s2  }
0xb: {  	[smem:$0x3FA9] =	sst s3  }
0xc: {  	[smem:$0x3FAA] =	sst s4  }
0xd: {  	[smem:$0x3FAB] =	sst s5  }
0xe: {  	[smem:$0x3FAC] =	sst s6  }
0xf: {  	[smem:$0x3FAD] =	sst s7  }
0x10: {  	[smem:$0x3FAE] =	sst s8  }
0x11: {  	[smem:$0x3FAF] =	sst s9;
	s0 =	simm.s32 @!p0 $0x0  }
0x12: {  	s1 =	sld [smem:$0x3F95];
	s0 =	simm.s32 @p0 $0x1  }
0x13: {  	[smem:$0x3FB0] =	sst s0;
	s0 =	simm.s32 @!p1 $0x0  }
0x14: {  	s2 =	sld [smem:$0x3F94];
	s0 =	simm.s32 @p1 $0x1  }
0x15: {  	[smem:$0x3FB1] =	sst s0;
	s0 =	simm.s32 @!p2 $0x0  }
0x16: {  	s3 =	sld [smem:$0x3FDB];
	s0 =	simm.s32 @p2 $0x1  }
0x17: {  	s4 =	simm.s32 $0x1BF5;
	[smem:$0x3FB3] =	sst s0  }
0x18: {  	s0 =	sld [smem:$0x3F96];
	_ =	swait.ge [sflag:s4], $0x0  }
0x19: {  	s7 =	sld [smem:$0x3F97]  }
0x1a: {  	s8 =	sadd.s32 $0xFFFFE003, lr  }
0x1b: {  	s9 =	sadd.s32 $0xFFFFFEF7, lr;
	s5 =	simm.s32 $0xFFFFFFFF;
	p2 =	slt.u32 s8, $0xFFFFF086  }
0x1c: {  	p1 =	slt.u32 s9, $0xF7A;
	s5 =	simm.s32 @!p2 $0x0  }
0x1d: {  	s5 =	simm.s32 @p1 $0x1;
	p0 =	seq.s32 s7, s2  }
0x1e: {  	s7 =	smul.u32 @!p0 $0xF7A, s2;
	p2 =	seq.s32 @!p0 s5, $0x0  }
0x1f: {  	s9 =	smul.u32 $0xF7A, s1;
	s8 =	simm.s32 @!p0 $0x1BF5;
	p2 =	por !p2, p0  }
0x20: {  	[sflag:s8] =	ssyncset.s32 @!p0 $0xFFFFF086;
	s6 =	sadd.s32 @!p0 s3, s7;
	s7 =	simm.s32 @!p0 $0x108  }
0x21: {  	s3 =	sadd.s32 s3, s9;
	s6 =	sadd.s32 @!p0 $0x88, s6;
	s7 =	simm.s32 @p2 $0x1082  }
0x22: {  	[simem:s7], [sflag:s8] =	dma.local @!p0 [hbm:s6], $0xF7A  }
0x23: {  	s9 =	sor.u32 $0xD0000000, s2;
	s6 =	simm.s32 $0x108;
	_ =	swait.ge @!p0 [sflag:s8], $0x0  }
0x24: {  	s3 =	sadd.s32 $0x88, s3;
	s6 =	simm.s32 @!p1 $0x1082;
	[sflag:s4] =	ssyncset.s32 $0xFFFFF086  }
0x25: {  	[simem:s6], [sflag:s4] =	dma.local [hbm:s3], $0xF7A  }
0x26: {  	[smem:$0x3F97] =	sst s1;
	(tag) =	ssettag s2;
	_ =	strace s9  }
0x27: {  	s1 =	sld [smem:$0x3FA7]  }
0x28: {  	s2 =	sld [smem:$0x3FA8]  }
0x29: {  	s4 =	sld [smem:$0x3FAA]  }
0x2a: {  	p0 =	seq.s32 s5, $0x0;
	s5 =	sld [smem:$0x3FAB]  }
0x2b: {  	s6 =	sld [smem:$0x3FAC]  }
0x2c: {  	s7 =	sld [smem:$0x3FAD]  }
0x2d: {  	s3 =	simm.s32 $0x108;
	s8 =	sld [smem:$0x3FAE]  }
0x2e: {  	s3 =	simm.s32 @!p0 $0x1082;
	s9 =	sld [smem:$0x3FAF]  }
0x2f: {  	lr =	sadd.s32 s0, s3;
	s0 =	sld [smem:$0x3FA6]  }
0x30: {  	s3 =	sld [smem:$0x3FA9]  }
0x31: {  	[smem:$0x3FB2] =	sst s10  }
0x32: {  	s10 =	sld [smem:$0x3FB0];
	_ =	sdelay $0x3  }
0x33: {  	p0 =	seq.s32 s10, $0x1;
	s10 =	sld [smem:$0x3FB2];
	_ =	sdelay $0x3  }
0x34: {  	[smem:$0x3FB2] =	sst s10  }
0x35: {  	s10 =	sld [smem:$0x3FB1];
	_ =	sdelay $0x3  }
0x36: {  	p1 =	seq.s32 s10, $0x1;
	s10 =	sld [smem:$0x3FB2];
	_ =	sdelay $0x3  }
0x37: {  	[smem:$0x3FB2] =	sst s10  }
0x38: {  	s10 =	sld [smem:$0x3FB3]  }
0x39: {  	_ = 	snop;
	(pc) =	sbr.ind lr, $3  }
0x3a: {  	_ = 	snop  }
0x3b: {  	_ = 	snop  }
0x3c: {  	p2 =	seq.s32 s10, $0x1;
	s10 =	sld [smem:$0x3FB2]  }
0x3d: {  	_ =	shalt  }
0x3e: {  	_ =	shalt  }
0x3f: {  	_ =	shalt  }
0x40: {  	_ =	shalt  }
0x41: {  	_ =	shalt  }
0x42: {  	_ =	shalt  }
0x43: {  	_ =	shalt  }
0x44: {  	_ =	shalt  }
0x45: {  	_ =	shalt  }
0x46: {  	_ =	shalt  }
0x47: {  	_ =	shalt  }
0x48: {  	_ =	shalt  }
0x49: {  	_ =	shalt  }
0x4a: {  	_ =	shalt  }
0x4b: {  	_ =	shalt  }
0x4c: {  	_ =	shalt  }
0x4d: {  	_ =	shalt  }
0x4e: {  	_ =	shalt  }
0x4f: {  	_ =	shalt  }
0x50: {  	_ =	shalt  }
0x51: {  	_ =	shalt  }
0x52: {  	_ =	shalt  }
0x53: {  	_ =	shalt  }
0x54: {  	_ =	shalt  }
0x55: {  	_ =	shalt  }
0x56: {  	_ =	shalt  }
0x57: {  	_ =	shalt  }
0x58: {  	_ =	shalt  }
0x59: {  	_ =	shalt  }
0x5a: {  	_ =	shalt  }
0x5b: {  	_ =	shalt  }
0x5c: {  	_ =	shalt  }
0x5d: {  	_ =	shalt  }
0x5e: {  	_ =	shalt  }
0x5f: {  	_ =	shalt  }
0x60: {  	_ =	shalt  }
0x61: {  	_ =	shalt  }
0x62: {  	_ =	shalt  }
0x63: {  	_ =	shalt  }
0x64: {  	_ =	shalt  }
0x65: {  	_ =	shalt  }
0x66: {  	_ =	shalt  }
0x67: {  	_ =	shalt  }
0x68: {  	_ =	shalt  }
0x69: {  	_ =	shalt  }
0x6a: {  	_ =	shalt  }
0x6b: {  	_ =	shalt  }
0x6c: {  	_ =	shalt  }
0x6d: {  	_ =	shalt  }
0x6e: {  	_ =	shalt  }
0x6f: {  	_ =	shalt  }
0x70: {  	_ =	shalt  }
0x71: {  	_ =	shalt  }
0x72: {  	_ =	shalt  }
0x73: {  	_ =	shalt  }
0x74: {  	_ =	shalt  }
0x75: {  	_ =	shalt  }
0x76: {  	_ =	shalt  }
0x77: {  	_ =	shalt  }
0x78: {  	_ =	shalt  }
0x79: {  	_ =	shalt  }
0x7a: {  	_ =	shalt  }
0x7b: {  	_ =	shalt  }
0x7c: {  	_ =	shalt  }
0x7d: {  	_ =	shalt  }
0x7e: {  	_ =	shalt  }
0x7f: {  	_ =	shalt  }
0x80: {  	_ =	shalt  }
0x81: {  	_ =	shalt  }
0x82: {  	_ =	shalt  }
0x83: {  	_ =	shalt  }
0x84: {  	_ =	shalt  }
0x85: {  	_ =	shalt  }
0x86: {  	_ =	shalt  }
0x87: {  	_ =	shalt  }
.Lfunc_end0:
.L_simem_size_0:
called_computation_lowered:
.L_overlay_start_0:
0x88: {  	s2 =	sld [smem:$0x3FD9]  }
0x89: {  	s3 =	sld [smem:$0x3FFE];
	_ =	sdelay $0x1  }
0x8a: {  	s1 =	srdreg.scid  }
0x8b: {  	s0 =	sand.u32 $0x1, s1  }
0x8c: {  	s17 =	sshll.u32 s0, $0xA;
	s2 =	sadd.s32 s3, s2  }
0x8d: {  	s2 =	sadd.s32 s2, s17  }
0x8e: {  	[smem:$0x3FBE] =	sst s2  }
0x8f: {  	_ = 	snop  }
0x90: {  	s2 =	sld [smem:$0x3FD0];
	(tm) =	ssettm $0x1  }
0x91: {  	s18 =	sld [smem:$0x3FFB];
	_ =	sdelay $0x3  }
0x92: {  	_ =	strace s18  }
0x93: {  	s3 =	sld [smem:$0x3FFC];
	_ =	sdelay $0x3  }
0x94: {  	_ =	strace s3  }
0x95: {  	s3 =	sld [smem:$0x3FFD];
	_ =	sdelay $0x3  }
0x96: {  	_ =	strace s3  }
0x97: {  	_ =	strace $0x8FFFFFFF  }
0x98: {  	s19 =	sld [smem:$0x3FDB];
	_ =	sdelay $0x1  }
0x99: {  	s4 =	simm.s32 $_scs_section_size  }
0x9a: {  	s5 =	simm.s32 $_size__tile_overlayer_lowered;
	s6 =	simm.s32 $_tile_overlayer_lowered  }
0x9b: {  	s22 =	simm.s32 $0x1BFF;
	s21 =	sshll.u32 s6, $0x1;
	s3 =	sadd.s32 s4, s19  }
0x9c: {  	s7 =	simm.s32 $0x0;
	s20 =	sshll.u32 s5, $0x1;
	s5 =	sadd.s32 s21, s3  }
0x9d: {  	[timem:s7], [sflag:s22] =	dma.local [hbm:s5], s20  }
0x9e: {  	_ =	swait.ge [sflag:s22], s20  }
0x9f: {  	s4 =	ssub.s32 $0x0, s20;
	[sflag:s22] =	ssyncset.done $0x0  }
0xa0: {  	[sflag:s22] =	ssyncadd.s32 s4;
	_ =	sdelay $0x1  }
0xa1: {  	s23 =	simm.s32 $0x1B8B  }
0xa2: {  	_ =	swait.ge [sflag:s23], $0x1  }
0xa3: {  	[sflag:s23] =	ssyncset.done $0x0  }
0xa4: {  	s25 =	simm.s32 $0x1B8E;
	s24 =	sld [smem:$0x3FFE];
	[sflag:s23] =	ssyncadd.s32 $0xFFFFFFFF  }
0xa5: {  	s26 =	simm.s32 $execute0_lowered;
	[smem:$0x3FD2] =	sst s25  }
0xa6: {  	s5 =	sshll.u32 s26, $0x1;
	_ =	strace $0x80000046;
	[dreg:$0x1] =	wrdreg $0xFFFFFFFF  }
0xa7: {  	s28 =	simm.s32 $_size_execute0_lowered;
	s3 =	sadd.s32 s3, s5;
	[dreg:$0x0] =	wrdreg $0x0  }
0xa8: {  	s5 =	sshll.u32 s28, $0x1;
	[dreg:$0x2] =	wrdreg s3  }
0xa9: {  	[dreg:$0x3] =	wrdreg s5  }
0xaa: {  	[dreg:$0x4] =	wrdreg $0xC0  }
0xab: {  	_ =	task [dreg:s7], $0x5FFFF  }
0xac: {  	[dreg:$0x1] =	wrdreg $0xFFFFFFFF  }
0xad: {  	[dreg:$0x0] =	wrdreg $0x60  }
0xae: {  	[dreg:$0x2] =	wrdreg s24  }
0xaf: {  	[dreg:$0x3] =	wrdreg s2  }
0xb0: {  	[dreg:$0x4] =	wrdreg $0x15D600  }
0xb1: {  	[dreg:$0x5] =	wrdreg $0x9  }
0xb2: {  	_ =	task.clear_ibuf [dreg:s7], $0x6FFFF;
	_ =	strace $0x90000046  }
0xb3: {  	s29 =	simm.s32 $0x9;
	_ =	strace $0x80000048  }
0xb4: {  	_ =	swait.ge [sflag:s29], $0x1  }
0xb5: {  	[sflag:s29] =	ssyncadd.s32 $0xFFFFFFFF  }
0xb6: {  	_ =	strace $0x90000048  }
0xb7: {  	_ =	sfence  }
0xb8: {  	s30 =	sld [smem:$0x0];
	_ =	sdelay $0x2  }
0xb9: {  	s31 =	sshll.u32 s1, $0xD;
	s1 =	sshrl.u32 s1, $0x2  }
0xba: {  	s3 =	sand.u32 $0x4000, s31;
	s1 =	sadd.s32 s1, s30  }
0xbb: {  	s0 =	sor.u32 s3, s0;
	s1 =	sshll.u32 s1, $0x11  }
0xbc: {  	s0 =	sor.u32 s1, s0  }
0xbd: {  	s0 =	sadd.s32 $0x8F2B, s0  }
0xbe: {  	[sflag:s0] =	ssyncadd.remote.s32 $0x1  }
0xbf: {  	_ =	sfence.sel $0xFFFF  }
0xc0: {  	[dreg:$0x0] =	wrdreg $0xFFFFFFFF;
	(pc) =	sbr.abs _section_cstart, $3  }
0xc1: {  	[dreg:$0x1] =	wrdreg $0xFFFFFFFF  }
0xc2: {  	_ =	task.clear_ibuf [dreg:s7], $0x2FFFF;
	_ =	strace $0x9FFFFFFF  }
0xc3: {  	(tm) =	ssettm $0x7FFFFFFF  }
tec
execute0_lowered:
.L_overlay_start_1:
0x0: {  	(tag) =	ssettag $0x1  }
0x1: {  	s1 =	rddreg [dreg:$0x0]  }
0x2: {  	s0 =	srdreg.scid;
	s11 =	rddreg [dreg:$0x1]  }
0x3: {  	s9 =	stileid.u32;
	s2 =	rddreg [dreg:$0x2]  }
0x4: {  	s17 =	simm.s32 $0x11620;
	s18 =	simm.s32 $0x5;
	s20 =	simm.s32 $0x190  }
0x5: {  	s21 =	simm.s32 $0x4E20;
	s22 =	simm.s32 $0xB220;
	s23 =	simm.s32 $0x13560  }
0x6: {  	s28 =	simm.s32 $0x4;
	s29 =	simm.s32 $0x2580;
	s30 =	simm.s32 $0x4C90  }
0x7: {  	s31 =	simm.s32 $0x10;
	s0 =	sand.u32 $0x1, s0;
	s7 =	smul.u32 $0x13880, s9  }
0x8: {  	s4 =	sadd.s32 $0x16400, s1;
	s3 =	sshll.u32 s0, $0x4;
	s6 =	smul.u32 $0x138800, s0  }
0x9: {  	s0 =	ssub.s32 $0x2, s0;
	s12 =	sor.u32 s9, s3;
	s9 =	smul.u32 $0x27100, s9  }
0xa: {  	s3 =	simm.s32 $0x0;
	s25 =	sshrl.u32 s0, $0x1;
	s5 =	smul.u32 $0x2710, s12  }
0xb: {  	[smem:$0x7FF] =	sst s3;
	s6 =	sadd.s32 s7, s6;
	s0 =	ssub.s32 s0, s25  }
0xc: {  	s12 =	smul.u32 $0x500, s12;
	s25 =	simm.s32 $0x2;
	_ =	strace $0x80000047  }
0xd: {  	s6 =	sshrl.u32 s6, $0x3;
	s24 =	sshrl.u32 s9, $0x2;
	s16 =	smax.u32 s0, $0x1  }
0xe: {  	s8 =	sshrl.u32 s5, $0x3;
	s5 =	sadd.s32 $0x2A00, s1;
	s11 =	sadd.s32 s11, s12  }
0xf: {  	s13 =	sadd.s32 s8, s1;
	s1 =	sadd.s32 s6, s1;
	s6 =	sadd.s32 s24, s2  }
0x10: {  	[dreg:$0x7] =	wrdreg s11;
	s24 =	simm.s32 $0x1;
	s7 =	sadd.s32 $0x1F40, s6  }
0x11: {  	s8 =	sadd.s32 $0x3E80, s6;
	s9 =	sadd.s32 $0x5DC0, s6;
	s14 =	sadd.s32 $0x29E00, s13  }
0x12: {  	s10 =	sadd.s32 $0x7D00, s6;
	s13 =	sadd.s32 $0x33A40, s13;
	[dreg:$0x4] =	wrdreg s14  }
0x13: {  	s26 =	sadd.s32 $0x3D800, s1;
	s15 =	sadd.s32 $0x3D808, s1;
	[dreg:$0x5] =	wrdreg s13  }
0x14: {  	v0 =	vimm.f32 $0.0e+00;
	v1 =	vimm.f32 $1.000000000e+00;
	s1 =	simm.s32 $0x8;
	[dreg:$0x6] =	wrdreg s26;
	s26 =	simm.s32 $0x3  }
.LBB2_1:
0x15: {  	s11 =	simm.s32 $0x100;
	s0 =	simm.s32 $0x0  }
.LBB2_2:
0x16: {  	p0 =	sne.s32 s11, $0x7C00;
	[tilespmem:s0+$0x11650] =	vst v0;
	s12 =	smov.u32 s11;
	s11 =	sadd.s32 $0x100, s11  }
.Ltmp0:
0x17: {  	[tilespmem:s0+$0x11640] =	vst v0;
	(pc) =	sbr.rel @p0 .LBB2_2-.Ltmp0, $3  }
0x18: {  	[tilespmem:s0+$0x11620] =	vst v0  }
0x19: {  	[tilespmem:s0+$0x11630] =	vst v0;
	_ =	sdelay $0x1  }
0x1a: {  	s0 =	sshra.s32 s12, $0x2  }
0x1b: {  	[tilespmem:s0+$0x11650] =	vst v0  }
0x1c: {  	[tilespmem:s0+$0x11640] =	vst v0  }
0x1d: {  	[tilespmem:s0+$0x11620] =	vst v0  }
0x1e: {  	[tilespmem:s0+$0x11630] =	vst v0  }
0x1f: {  	[spmem:s6] =	stream.linear.scatter [tilespmem:s17], [sflag:$0x5], $0x1F40, $0x38;
	[tilespmem:$0x1F9A0] =	vst v63  }
0x20: {  	_ =	swait.ge [sflag:s18], $0x1F40  }
0x21: {  	[sflag:s18] =	ssyncset.done $0x0  }
0x22: {  	[sflag:s18] =	ssyncadd.s32 $0xFFFFE0C0  }
0x23: {  	[spmem:s7] =	stream.linear.scatter [tilespmem:s17], [sflag:$0x5], $0x1F40, $0x38;
	[tilespmem:$0x1F9A0] =	vst v63  }
0x24: {  	_ =	swait.ge [sflag:s18], $0x1F40  }
0x25: {  	[sflag:s18] =	ssyncset.done $0x0  }
0x26: {  	[sflag:s18] =	ssyncadd.s32 $0xFFFFE0C0  }
0x27: {  	[spmem:s8] =	stream.linear.scatter [tilespmem:s17], [sflag:$0x5], $0x1F40, $0x38;
	[tilespmem:$0x1F9A0] =	vst v63  }
0x28: {  	_ =	swait.ge [sflag:s18], $0x1F40  }
0x29: {  	[sflag:s18] =	ssyncset.done $0x0  }
0x2a: {  	[sflag:s18] =	ssyncadd.s32 $0xFFFFE0C0  }
0x2b: {  	[spmem:s9] =	stream.linear.scatter [tilespmem:s17], [sflag:$0x5], $0x1F40, $0x38;
	[tilespmem:$0x1F9A0] =	vst v63  }
0x2c: {  	_ =	swait.ge [sflag:s18], $0x1F40  }
0x2d: {  	[sflag:s18] =	ssyncset.done $0x0  }
0x2e: {  	[sflag:s18] =	ssyncadd.s32 $0xFFFFE0C0  }
0x2f: {  	[spmem:s10] =	stream.linear.scatter [tilespmem:s17], [sflag:$0x5], $0x1F40, $0x38;
	[tilespmem:$0x1F9A0] =	vst v63  }
0x30: {  	_ =	swait.ge [sflag:s18], $0x1F40  }
0x31: {  	[sflag:s18] =	ssyncset.done $0x0  }
0x32: {  	s0 =	simm.s32 $0x40;
	s11 =	simm.s32 $0x0;
	[sflag:s18] =	ssyncadd.s32 $0xFFFFE0C0  }
.LBB2_4:
0x33: {  	p0 =	sne.s32 s0, $0x9FC0;
	[tilespmem:s11+$0x13560] =	vst v0;
	s11 =	smov.u32 s0;
	s0 =	sadd.s32 $0x40, s0  }
.Ltmp1:
0x34: {  	(pc) =	sbr.rel @p0 .LBB2_4-.Ltmp1, $2  }
0x35: {  	_ =	sdelay $0x2  }
0x36: {  	s11 =	sshra.s32 s11, $0x2  }
0x37: {  	[tilespmem:s11+$0x13560] =	vst v0;
	s19 =	simm.s32 $0x0;
	s0 =	rddreg [dreg:$0x4]  }
0x38: {  	[tilespmem:s19], [sflag:$0x5] =	stream.linear.gather [hbm4b:s0+s19], $0x2710, $0x38;
	[tilespmem:$0x1F9A0] =	vst v63  }
0x39: {  	_ =	swait.ge [sflag:s18], $0x2710  }
0x3a: {  	[sflag:s18] =	ssyncset.done $0x0  }
0x3b: {  	s14 =	simm.s32 $0x2710;
	s13 =	rddreg [dreg:$0x5];
	[sflag:s18] =	ssyncadd.s32 $0xFFFFD8F0  }
0x3c: {  	[tilespmem:s14], [sflag:$0x5] =	stream.linear.gather [hbm4b:s13+s19], $0x2710, $0x38;
	[tilespmem:$0x1F9A0] =	vst v63  }
0x3d: {  	_ =	swait.ge [sflag:s18], $0x2710  }
0x3e: {  	[sflag:s18] =	ssyncset.done $0x0  }
0x3f: {  	[sflag:s18] =	ssyncadd.s32 $0xFFFFD8F0  }
0x40: {  	[bflag:$0x0] =	sbarrier.arrive $0xFFFF  }
.LBB2_6:
0x41: {  	s0 =	sshra.s32 s19, $0x2  }
0x42: {  	[tilespmem:s21], [sflag:$0x1] =	stream.indirect.gather [hbm4b:s4+s20], $0x40, s0, s20, $0xb8;
	[tilespmem:$0x1F9A0] =	vst v63  }
0x43: {  	s11 =	sadd.s32 $0x190, s0  }
0x44: {  	[tilespmem:s22], [sflag:$0x2] =	stream.indirect.gather [hbm4b:s4+s20], $0x40, s11, s20, $0xb8;
	[tilespmem:$0x1F9A0] =	vst v63  }
0x45: {  	v2 =	vld [tilespmem:s0+$0x2710];
	_ =	sdelay $0x7  }
0x46: {  	[tilespmem:v2+s23+$0x0] =	vst.idx.add.f32.msk $0xffff, v1  }
0x47: {  	v2 =	vld [tilespmem:s0+$0x2720];
	_ =	sdelay $0x7  }
0x48: {  	[tilespmem:v2+s23+$0x0] =	vst.idx.add.f32.msk $0xffff, v1  }
0x49: {  	v2 =	vld [tilespmem:s0+$0x2730];
	_ =	sdelay $0x7  }
0x4a: {  	[tilespmem:v2+s23+$0x0] =	vst.idx.add.f32.msk $0xffff, v1  }
0x4b: {  	v2 =	vld [tilespmem:s0+$0x2740];
	_ =	sdelay $0x7  }
0x4c: {  	[tilespmem:v2+s23+$0x0] =	vst.idx.add.f32.msk $0xffff, v1  }
0x4d: {  	v2 =	vld [tilespmem:s0+$0x2750];
	_ =	sdelay $0x7  }
0x4e: {  	[tilespmem:v2+s23+$0x0] =	vst.idx.add.f32.msk $0xffff, v1  }
0x4f: {  	v2 =	vld [tilespmem:s0+$0x2760];
	_ =	sdelay $0x7  }
0x50: {  	[tilespmem:v2+s23+$0x0] =	vst.idx.add.f32.msk $0xffff, v1  }
0x51: {  	v2 =	vld [tilespmem:s0+$0x2770];
	_ =	sdelay $0x7  }
0x52: {  	[tilespmem:v2+s23+$0x0] =	vst.idx.add.f32.msk $0xffff, v1  }
0x53: {  	v2 =	vld [tilespmem:s0+$0x2780];
	_ =	sdelay $0x7  }
0x54: {  	[tilespmem:v2+s23+$0x0] =	vst.idx.add.f32.msk $0xffff, v1  }
0x55: {  	v2 =	vld [tilespmem:s0+$0x2790];
	_ =	sdelay $0x7  }
0x56: {  	[tilespmem:v2+s23+$0x0] =	vst.idx.add.f32.msk $0xffff, v1  }
0x57: {  	v2 =	vld [tilespmem:s0+$0x27A0];
	_ =	sdelay $0x7  }
0x58: {  	[tilespmem:v2+s23+$0x0] =	vst.idx.add.f32.msk $0xffff, v1  }
0x59: {  	v2 =	vld [tilespmem:s0+$0x27B0];
	_ =	sdelay $0x7  }
0x5a: {  	[tilespmem:v2+s23+$0x0] =	vst.idx.add.f32.msk $0xffff, v1  }
0x5b: {  	v2 =	vld [tilespmem:s0+$0x27C0];
	_ =	sdelay $0x7  }
0x5c: {  	[tilespmem:v2+s23+$0x0] =	vst.idx.add.f32.msk $0xffff, v1  }
0x5d: {  	v2 =	vld [tilespmem:s0+$0x27D0];
	_ =	sdelay $0x7  }
0x5e: {  	[tilespmem:v2+s23+$0x0] =	vst.idx.add.f32.msk $0xffff, v1  }
0x5f: {  	v2 =	vld [tilespmem:s0+$0x27E0];
	_ =	sdelay $0x7  }
0x60: {  	[tilespmem:v2+s23+$0x0] =	vst.idx.add.f32.msk $0xffff, v1  }
0x61: {  	v2 =	vld [tilespmem:s0+$0x27F0];
	_ =	sdelay $0x7  }
0x62: {  	[tilespmem:v2+s23+$0x0] =	vst.idx.add.f32.msk $0xffff, v1  }
0x63: {  	v2 =	vld [tilespmem:s0+$0x2800];
	_ =	sdelay $0x7  }
0x64: {  	[tilespmem:v2+s23+$0x0] =	vst.idx.add.f32.msk $0xffff, v1  }
0x65: {  	v2 =	vld [tilespmem:s0+$0x2810];
	_ =	sdelay $0x7  }
0x66: {  	[tilespmem:v2+s23+$0x0] =	vst.idx.add.f32.msk $0xffff, v1  }
0x67: {  	v2 =	vld [tilespmem:s0+$0x2820];
	_ =	sdelay $0x7  }
0x68: {  	[tilespmem:v2+s23+$0x0] =	vst.idx.add.f32.msk $0xffff, v1  }
0x69: {  	v2 =	vld [tilespmem:s0+$0x2830];
	_ =	sdelay $0x7  }
0x6a: {  	[tilespmem:v2+s23+$0x0] =	vst.idx.add.f32.msk $0xffff, v1  }
0x6b: {  	v2 =	vld [tilespmem:s0+$0x2840];
	_ =	sdelay $0x7  }
0x6c: {  	[tilespmem:v2+s23+$0x0] =	vst.idx.add.f32.msk $0xffff, v1  }
0x6d: {  	v2 =	vld [tilespmem:s0+$0x2850];
	_ =	sdelay $0x7  }
0x6e: {  	[tilespmem:v2+s23+$0x0] =	vst.idx.add.f32.msk $0xffff, v1  }
0x6f: {  	v2 =	vld [tilespmem:s0+$0x2860];
	_ =	sdelay $0x7  }
0x70: {  	[tilespmem:v2+s23+$0x0] =	vst.idx.add.f32.msk $0xffff, v1  }
0x71: {  	v2 =	vld [tilespmem:s0+$0x2870];
	_ =	sdelay $0x7  }
0x72: {  	[tilespmem:v2+s23+$0x0] =	vst.idx.add.f32.msk $0xffff, v1  }
0x73: {  	v2 =	vld [tilespmem:s0+$0x2880];
	_ =	sdelay $0x7  }
0x74: {  	[tilespmem:v2+s23+$0x0] =	vst.idx.add.f32.msk $0xffff, v1  }
0x75: {  	v2 =	vld [tilespmem:s0+$0x2890];
	_ =	sdelay $0x7  }
0x76: {  	[tilespmem:v2+s23+$0x0] =	vst.idx.add.f32.msk $0xffff, v1  }
0x77: {  	_ =	swait.ge [sflag:s24], $0x6400  }
0x78: {  	[sflag:s24] =	ssyncset.done $0x0  }
0x79: {  	s14 =	sadd.s32 $0x2710, s0;
	[sflag:s24] =	ssyncadd.s32 $0xFFFF9C00  }
0x7a: {  	[spmem:s2] =	stream.indirect.scatter.add.f32 [tilespmem:s21], [sflag:$0x3], $0x40, s14, s20, $0xb8;
	[tilespmem:$0x1F9A0] =	vst v63  }
0x7b: {  	v2 =	vld [tilespmem:s0+$0x28A0];
	_ =	sdelay $0x7  }
0x7c: {  	[tilespmem:v2+s23+$0x0] =	vst.idx.add.f32.msk $0xffff, v1  }
0x7d: {  	v2 =	vld [tilespmem:s0+$0x28B0];
	_ =	sdelay $0x7  }
0x7e: {  	[tilespmem:v2+s23+$0x0] =	vst.idx.add.f32.msk $0xffff, v1  }
0x7f: {  	v2 =	vld [tilespmem:s0+$0x28C0];
	_ =	sdelay $0x7  }
0x80: {  	[tilespmem:v2+s23+$0x0] =	vst.idx.add.f32.msk $0xffff, v1  }
0x81: {  	v2 =	vld [tilespmem:s0+$0x28D0];
	_ =	sdelay $0x7  }
0x82: {  	[tilespmem:v2+s23+$0x0] =	vst.idx.add.f32.msk $0xffff, v1  }
0x83: {  	v2 =	vld [tilespmem:s0+$0x28E0];
	_ =	sdelay $0x7  }
0x84: {  	[tilespmem:v2+s23+$0x0] =	vst.idx.add.f32.msk $0xffff, v1  }
0x85: {  	v2 =	vld [tilespmem:s0+$0x28F0];
	_ =	sdelay $0x7  }
0x86: {  	[tilespmem:v2+s23+$0x0] =	vst.idx.add.f32.msk $0xffff, v1  }
0x87: {  	v2 =	vld [tilespmem:s0+$0x2900];
	_ =	sdelay $0x7  }
0x88: {  	[tilespmem:v2+s23+$0x0] =	vst.idx.add.f32.msk $0xffff, v1  }
0x89: {  	v2 =	vld [tilespmem:s0+$0x2910];
	_ =	sdelay $0x7  }
0x8a: {  	[tilespmem:v2+s23+$0x0] =	vst.idx.add.f32.msk $0xffff, v1  }
0x8b: {  	v2 =	vld [tilespmem:s0+$0x2920];
	_ =	sdelay $0x7  }
0x8c: {  	[tilespmem:v2+s23+$0x0] =	vst.idx.add.f32.msk $0xffff, v1  }
0x8d: {  	v2 =	vld [tilespmem:s0+$0x2930];
	_ =	sdelay $0x7  }
0x8e: {  	[tilespmem:v2+s23+$0x0] =	vst.idx.add.f32.msk $0xffff, v1  }
0x8f: {  	v2 =	vld [tilespmem:s0+$0x2940];
	_ =	sdelay $0x7  }
0x90: {  	[tilespmem:v2+s23+$0x0] =	vst.idx.add.f32.msk $0xffff, v1  }
0x91: {  	v2 =	vld [tilespmem:s0+$0x2950];
	_ =	sdelay $0x7  }
0x92: {  	[tilespmem:v2+s23+$0x0] =	vst.idx.add.f32.msk $0xffff, v1  }
0x93: {  	v2 =	vld [tilespmem:s0+$0x2960];
	_ =	sdelay $0x7  }
0x94: {  	[tilespmem:v2+s23+$0x0] =	vst.idx.add.f32.msk $0xffff, v1  }
0x95: {  	v2 =	vld [tilespmem:s0+$0x2970];
	_ =	sdelay $0x7  }
0x96: {  	[tilespmem:v2+s23+$0x0] =	vst.idx.add.f32.msk $0xffff, v1  }
0x97: {  	v2 =	vld [tilespmem:s0+$0x2980];
	_ =	sdelay $0x7  }
0x98: {  	[tilespmem:v2+s23+$0x0] =	vst.idx.add.f32.msk $0xffff, v1  }
0x99: {  	v2 =	vld [tilespmem:s0+$0x2990];
	_ =	sdelay $0x7  }
0x9a: {  	[tilespmem:v2+s23+$0x0] =	vst.idx.add.f32.msk $0xffff, v1  }
0x9b: {  	v2 =	vld [tilespmem:s0+$0x29A0];
	_ =	sdelay $0x7  }
0x9c: {  	[tilespmem:v2+s23+$0x0] =	vst.idx.add.f32.msk $0xffff, v1  }
0x9d: {  	v2 =	vld [tilespmem:s0+$0x29B0];
	_ =	sdelay $0x7  }
0x9e: {  	[tilespmem:v2+s23+$0x0] =	vst.idx.add.f32.msk $0xffff, v1  }
0x9f: {  	v2 =	vld [tilespmem:s0+$0x29C0];
	_ =	sdelay $0x7  }
0xa0: {  	[tilespmem:v2+s23+$0x0] =	vst.idx.add.f32.msk $0xffff, v1  }
0xa1: {  	v2 =	vld [tilespmem:s0+$0x29D0];
	_ =	sdelay $0x7  }
0xa2: {  	[tilespmem:v2+s23+$0x0] =	vst.idx.add.f32.msk $0xffff, v1  }
0xa3: {  	v2 =	vld [tilespmem:s0+$0x29E0];
	_ =	sdelay $0x7  }
0xa4: {  	[tilespmem:v2+s23+$0x0] =	vst.idx.add.f32.msk $0xffff, v1  }
0xa5: {  	v2 =	vld [tilespmem:s0+$0x29F0];
	_ =	sdelay $0x7  }
0xa6: {  	[tilespmem:v2+s23+$0x0] =	vst.idx.add.f32.msk $0xffff, v1  }
0xa7: {  	v2 =	vld [tilespmem:s0+$0x2A00];
	_ =	sdelay $0x7  }
0xa8: {  	[tilespmem:v2+s23+$0x0] =	vst.idx.add.f32.msk $0xffff, v1  }
0xa9: {  	v2 =	vld [tilespmem:s0+$0x2A10];
	_ =	sdelay $0x7  }
0xaa: {  	[tilespmem:v2+s23+$0x0] =	vst.idx.add.f32.msk $0xffff, v1  }
0xab: {  	v2 =	vld [tilespmem:s0+$0x2A20];
	_ =	sdelay $0x7  }
0xac: {  	[tilespmem:v2+s23+$0x0] =	vst.idx.add.f32.msk $0xffff, v1  }
0xad: {  	_ =	swait.ge [sflag:s25], $0x6400  }
0xae: {  	[sflag:s25] =	ssyncset.done $0x0  }
0xaf: {  	s0 =	sadd.s32 $0x28A0, s0;
	[sflag:s25] =	ssyncadd.s32 $0xFFFF9C00  }
0xb0: {  	[spmem:s2] =	stream.indirect.scatter.add.f32 [tilespmem:s22], [sflag:$0x4], $0x40, s0, s20, $0xb8;
	[tilespmem:$0x1F9A0] =	vst v63  }
0xb1: {  	p0 =	sne.s32 s19, $0x8980;
	_ =	swait.ge [sflag:s26], $0x6400  }
.Ltmp2:
0xb2: {  	[sflag:s26] =	ssyncset.done $0x0;
	(pc) =	sbr.rel @p0 .LBB2_6-.Ltmp2, $4  }
0xb3: {  	[sflag:s26] =	ssyncadd.s32 $0xFFFF9C00  }
0xb4: {  	_ =	swait.ge [sflag:s28], $0x6400  }
0xb5: {  	[sflag:s28] =	ssyncset.done $0x0  }
0xb6: {  	s19 =	sadd.s32 $0xC80, s19;
	[sflag:s28] =	ssyncadd.s32 $0xFFFF9C00  }
0xb7: {  	[tilespmem:s21], [sflag:$0x1] =	stream.indirect.gather [hbm4b:s4+s20], $0x40, s29, s20, $0xb8;
	[tilespmem:$0x1F9A0] =	vst v63  }
0xb8: {  	v2 =	vld [tilespmem:$0x4C90];
	_ =	sdelay $0x7  }
0xb9: {  	[tilespmem:v2+s23+$0x0] =	vst.idx.add.f32.msk $0xffff, v1  }
0xba: {  	v2 =	vld [tilespmem:$0x4CA0];
	_ =	sdelay $0x7  }
0xbb: {  	[tilespmem:v2+s23+$0x0] =	vst.idx.add.f32.msk $0xffff, v1  }
0xbc: {  	v2 =	vld [tilespmem:$0x4CB0];
	_ =	sdelay $0x7  }
0xbd: {  	[tilespmem:v2+s23+$0x0] =	vst.idx.add.f32.msk $0xffff, v1  }
0xbe: {  	v2 =	vld [tilespmem:$0x4CC0];
	_ =	sdelay $0x7  }
0xbf: {  	[tilespmem:v2+s23+$0x0] =	vst.idx.add.f32.msk $0xffff, v1  }
0xc0: {  	v2 =	vld [tilespmem:$0x4CD0];
	_ =	sdelay $0x7  }
0xc1: {  	[tilespmem:v2+s23+$0x0] =	vst.idx.add.f32.msk $0xffff, v1  }
0xc2: {  	v2 =	vld [tilespmem:$0x4CE0];
	_ =	sdelay $0x7  }
0xc3: {  	[tilespmem:v2+s23+$0x0] =	vst.idx.add.f32.msk $0xffff, v1  }
0xc4: {  	v2 =	vld [tilespmem:$0x4CF0];
	_ =	sdelay $0x7  }
0xc5: {  	[tilespmem:v2+s23+$0x0] =	vst.idx.add.f32.msk $0xffff, v1  }
0xc6: {  	v2 =	vld [tilespmem:$0x4D00];
	_ =	sdelay $0x7  }
0xc7: {  	[tilespmem:v2+s23+$0x0] =	vst.idx.add.f32.msk $0xffff, v1  }
0xc8: {  	v2 =	vld [tilespmem:$0x4D10];
	_ =	sdelay $0x7  }
0xc9: {  	[tilespmem:v2+s23+$0x0] =	vst.idx.add.f32.msk $0xffff, v1  }
0xca: {  	v2 =	vld [tilespmem:$0x4D20];
	_ =	sdelay $0x7  }
0xcb: {  	[tilespmem:v2+s23+$0x0] =	vst.idx.add.f32.msk $0xffff, v1  }
0xcc: {  	v2 =	vld [tilespmem:$0x4D30];
	_ =	sdelay $0x7  }
0xcd: {  	[tilespmem:v2+s23+$0x0] =	vst.idx.add.f32.msk $0xffff, v1  }
0xce: {  	v2 =	vld [tilespmem:$0x4D40];
	_ =	sdelay $0x7  }
0xcf: {  	[tilespmem:v2+s23+$0x0] =	vst.idx.add.f32.msk $0xffff, v1  }
0xd0: {  	v2 =	vld [tilespmem:$0x4D50];
	_ =	sdelay $0x7  }
0xd1: {  	[tilespmem:v2+s23+$0x0] =	vst.idx.add.f32.msk $0xffff, v1  }
0xd2: {  	v2 =	vld [tilespmem:$0x4D60];
	_ =	sdelay $0x7  }
0xd3: {  	[tilespmem:v2+s23+$0x0] =	vst.idx.add.f32.msk $0xffff, v1  }
0xd4: {  	v2 =	vld [tilespmem:$0x4D70];
	_ =	sdelay $0x7  }
0xd5: {  	[tilespmem:v2+s23+$0x0] =	vst.idx.add.f32.msk $0xffff, v1  }
0xd6: {  	v2 =	vld [tilespmem:$0x4D80];
	_ =	sdelay $0x7  }
0xd7: {  	[tilespmem:v2+s23+$0x0] =	vst.idx.add.f32.msk $0xffff, v1  }
0xd8: {  	v2 =	vld [tilespmem:$0x4D90];
	_ =	sdelay $0x7  }
0xd9: {  	[tilespmem:v2+s23+$0x0] =	vst.idx.add.f32.msk $0xffff, v1  }
0xda: {  	v2 =	vld [tilespmem:$0x4DA0];
	_ =	sdelay $0x7  }
0xdb: {  	[tilespmem:v2+s23+$0x0] =	vst.idx.add.f32.msk $0xffff, v1  }
0xdc: {  	v2 =	vld [tilespmem:$0x4DB0];
	_ =	sdelay $0x7  }
0xdd: {  	[tilespmem:v2+s23+$0x0] =	vst.idx.add.f32.msk $0xffff, v1  }
0xde: {  	v2 =	vld [tilespmem:$0x4DC0];
	_ =	sdelay $0x7  }
0xdf: {  	[tilespmem:v2+s23+$0x0] =	vst.idx.add.f32.msk $0xffff, v1  }
0xe0: {  	v2 =	vld [tilespmem:$0x4DD0];
	_ =	sdelay $0x7  }
0xe1: {  	[tilespmem:v2+s23+$0x0] =	vst.idx.add.f32.msk $0xffff, v1  }
0xe2: {  	v2 =	vld [tilespmem:$0x4DE0];
	_ =	sdelay $0x7  }
0xe3: {  	[tilespmem:v2+s23+$0x0] =	vst.idx.add.f32.msk $0xffff, v1  }
0xe4: {  	v2 =	vld [tilespmem:$0x4DF0];
	_ =	sdelay $0x7  }
0xe5: {  	[tilespmem:v2+s23+$0x0] =	vst.idx.add.f32.msk $0xffff, v1  }
0xe6: {  	v2 =	vld [tilespmem:$0x4E00];
	_ =	sdelay $0x7  }
0xe7: {  	[tilespmem:v2+s23+$0x0] =	vst.idx.add.f32.msk $0xffff, v1  }
0xe8: {  	v2 =	vld [tilespmem:$0x4E10];
	_ =	sdelay $0x7  }
0xe9: {  	[tilespmem:v2+s23+$0x0] =	vst.idx.add.f32.msk $0xffff, v1  }
0xea: {  	_ =	swait.ge [sflag:s24], $0x6400  }
0xeb: {  	[sflag:s24] =	ssyncset.done $0x0  }
0xec: {  	[sflag:s24] =	ssyncadd.s32 $0xFFFF9C00  }
0xed: {  	[spmem:s2] =	stream.indirect.scatter.add.f32 [tilespmem:s21], [sflag:$0x5], $0x40, s30, s20, $0xb8;
	[tilespmem:$0x1F9A0] =	vst v63  }
0xee: {  	_ =	swait.ge [sflag:s18], $0x6400  }
0xef: {  	[sflag:s18] =	ssyncset.done $0x0  }
0xf0: {  	s0 =	stileid.u32;
	[sflag:s18] =	ssyncadd.s32 $0xFFFF9C00  }
0xf1: {  	s0 =	sshll.u32 s0, $0x6;
	[bflag:$0x0] =	sbarrier.arrive $0xFFFF  }
0xf2: {  	s19 =	sor.u32 $0x1C05, s0;
	s0 =	sshrl.u32 s6, $0x3;
	s11 =	rddreg [dreg:$0x6]  }
0xf3: {  	[hbm:s11@s31], [sflag:s19] =	dma.strided [spmem:s0@s1], $0x1388, s24, $0x8   }
0xf4: {  	_ =	swait.ge [sflag:s18], $0x1388  }
0xf5: {  	[sflag:s18] =	ssyncset.done $0x0  }
0xf6: {  	[sflag:s18] =	ssyncadd.s32 $0xFFFFEC78  }
0xf7: {  	[spmem:s6] =	stream.linear.scatter [tilespmem:s17], [sflag:$0x5], $0x1F40, $0x38;
	[tilespmem:$0x1F9A0] =	vst v63  }
0xf8: {  	_ =	swait.ge [sflag:s18], $0x1F40  }
0xf9: {  	[sflag:s18] =	ssyncset.done $0x0  }
0xfa: {  	[sflag:s18] =	ssyncadd.s32 $0xFFFFE0C0  }
0xfb: {  	[spmem:s7] =	stream.linear.scatter [tilespmem:s17], [sflag:$0x5], $0x1F40, $0x38;
	[tilespmem:$0x1F9A0] =	vst v63  }
0xfc: {  	_ =	swait.ge [sflag:s18], $0x1F40  }
0xfd: {  	[sflag:s18] =	ssyncset.done $0x0  }
0xfe: {  	[sflag:s18] =	ssyncadd.s32 $0xFFFFE0C0  }
0xff: {  	[spmem:s8] =	stream.linear.scatter [tilespmem:s17], [sflag:$0x5], $0x1F40, $0x38;
	[tilespmem:$0x1F9A0] =	vst v63  }
0x100: {  	_ =	swait.ge [sflag:s18], $0x1F40  }
0x101: {  	[sflag:s18] =	ssyncset.done $0x0  }
0x102: {  	[sflag:s18] =	ssyncadd.s32 $0xFFFFE0C0  }
0x103: {  	[spmem:s9] =	stream.linear.scatter [tilespmem:s17], [sflag:$0x5], $0x1F40, $0x38;
	[tilespmem:$0x1F9A0] =	vst v63  }
0x104: {  	_ =	swait.ge [sflag:s18], $0x1F40  }
0x105: {  	[sflag:s18] =	ssyncset.done $0x0  }
0x106: {  	[sflag:s18] =	ssyncadd.s32 $0xFFFFE0C0  }
0x107: {  	[spmem:s10] =	stream.linear.scatter [tilespmem:s17], [sflag:$0x5], $0x1F40, $0x38;
	[tilespmem:$0x1F9A0] =	vst v63  }
0x108: {  	_ =	swait.ge [sflag:s18], $0x1F40  }
0x109: {  	[sflag:s18] =	ssyncset.done $0x0  }
0x10a: {  	s13 =	simm.s32 $0x0;
	s12 =	rddreg [dreg:$0x7];
	[sflag:s18] =	ssyncadd.s32 $0xFFFFE0C0  }
0x10b: {  	[hbm4b:s12+s13] =	stream.linear.scatter [tilespmem:s23], [sflag:$0x5], $0x2800, $0x38;
	[tilespmem:$0x1F9A0] =	vst v63  }
0x10c: {  	_ =	swait.ge [sflag:s18], $0x2800  }
0x10d: {  	[sflag:s18] =	ssyncset.done $0x0  }
0x10e: {  	[sflag:s18] =	ssyncadd.s32 $0xFFFFD800  }
0x10f: {  	s14 =	simm.s32 $0x0;
	[bflag:$0x0] =	sbarrier.arrive $0xFFFF  }
0x110: {  	[tilespmem:s21], [sflag:$0x1] =	stream.indirect.gather [hbm4b:s5+s20], $0x40, s14, s20, $0xb8;
	[tilespmem:$0x1F9A0] =	vst v63  }
0x111: {  	s12 =	simm.s32 $0x190  }
0x112: {  	[tilespmem:s22], [sflag:$0x2] =	stream.indirect.gather [hbm4b:s5+s20], $0x40, s12, s20, $0xb8;
	[tilespmem:$0x1F9A0] =	vst v63  }
0x113: {  	_ =	swait.ge [sflag:s24], $0x6400  }
0x114: {  	[sflag:s24] =	ssyncset.done $0x0  }
0x115: {  	s13 =	simm.s32 $0x2710;
	[sflag:s24] =	ssyncadd.s32 $0xFFFF9C00  }
0x116: {  	[spmem:s2] =	stream.indirect.scatter.add.f32 [tilespmem:s21], [sflag:$0x3], $0x40, s13, s20, $0xb8;
	[tilespmem:$0x1F9A0] =	vst v63  }
0x117: {  	_ =	swait.ge [sflag:s25], $0x6400  }
0x118: {  	[sflag:s25] =	ssyncset.done $0x0  }
0x119: {  	s14 =	simm.s32 $0x28A0;
	[sflag:s25] =	ssyncadd.s32 $0xFFFF9C00  }
0x11a: {  	[spmem:s2] =	stream.indirect.scatter.add.f32 [tilespmem:s22], [sflag:$0x4], $0x40, s14, s20, $0xb8;
	[tilespmem:$0x1F9A0] =	vst v63  }
0x11b: {  	_ =	swait.ge [sflag:s26], $0x6400  }
0x11c: {  	[sflag:s26] =	ssyncset.done $0x0  }
0x11d: {  	[sflag:s26] =	ssyncadd.s32 $0xFFFF9C00  }
0x11e: {  	_ =	swait.ge [sflag:s28], $0x6400  }
0x11f: {  	s11 =	simm.s32 $0xC80;
	s12 =	simm.s32 $0x1900;
	[sflag:s28] =	ssyncset.done $0x0  }
.LBB2_8:
0x120: {  	s13 =	sshra.s32 s11, $0x2  }
0x121: {  	[sflag:s28] =	ssyncadd.s32 $0xFFFF9C00;
	s11 =	smov.u32 s12;
	s14 =	sadd.s32 $0xC80, s12  }
0x122: {  	[tilespmem:s21], [sflag:$0x1] =	stream.indirect.gather [hbm4b:s5+s20], $0x40, s13, s20, $0xb8;
	[tilespmem:$0x1F9A0] =	vst v63  }
0x123: {  	p0 =	sne.s32 s12, $0x8980;
	s12 =	sadd.s32 $0x190, s13  }
0x124: {  	[tilespmem:s22], [sflag:$0x2] =	stream.indirect.gather [hbm4b:s5+s20], $0x40, s12, s20, $0xb8;
	[tilespmem:$0x1F9A0] =	vst v63  }
0x125: {  	_ =	swait.ge [sflag:s24], $0x6400  }
0x126: {  	[sflag:s24] =	ssyncset.done $0x0  }
0x127: {  	s12 =	sadd.s32 $0x2710, s13;
	[sflag:s24] =	ssyncadd.s32 $0xFFFF9C00  }
0x128: {  	[spmem:s2] =	stream.indirect.scatter.add.f32 [tilespmem:s21], [sflag:$0x3], $0x40, s12, s20, $0xb8;
	[tilespmem:$0x1F9A0] =	vst v63  }
0x129: {  	_ =	swait.ge [sflag:s25], $0x6400  }
0x12a: {  	[sflag:s25] =	ssyncset.done $0x0  }
0x12b: {  	s12 =	sadd.s32 $0x28A0, s13;
	[sflag:s25] =	ssyncadd.s32 $0xFFFF9C00  }
0x12c: {  	[spmem:s2] =	stream.indirect.scatter.add.f32 [tilespmem:s22], [sflag:$0x4], $0x40, s12, s20, $0xb8;
	[tilespmem:$0x1F9A0] =	vst v63  }
.Ltmp3:
0x12d: {  	_ =	swait.ge [sflag:s26], $0x6400;
	(pc) =	sbr.rel @p0 .LBB2_8-.Ltmp3, $4  }
0x12e: {  	[sflag:s26] =	ssyncset.done $0x0  }
0x12f: {  	[sflag:s26] =	ssyncadd.s32 $0xFFFF9C00  }
0x130: {  	_ =	swait.ge [sflag:s28], $0x6400  }
0x131: {  	s12 =	smov.u32 s14;
	[sflag:s28] =	ssyncset.done $0x0  }
0x132: {  	s11 =	sshra.s32 s11, $0x2;
	[sflag:s28] =	ssyncadd.s32 $0xFFFF9C00  }
0x133: {  	[tilespmem:s21], [sflag:$0x1] =	stream.indirect.gather [hbm4b:s5+s20], $0x40, s11, s20, $0xb8;
	[tilespmem:$0x1F9A0] =	vst v63  }
0x134: {  	s12 =	sadd.s32 $0x190, s11  }
0x135: {  	[tilespmem:s22], [sflag:$0x2] =	stream.indirect.gather [hbm4b:s5+s20], $0x40, s12, s20, $0xb8;
	[tilespmem:$0x1F9A0] =	vst v63  }
0x136: {  	_ =	swait.ge [sflag:s24], $0x6400  }
0x137: {  	[sflag:s24] =	ssyncset.done $0x0  }
0x138: {  	s14 =	sadd.s32 $0x2710, s11;
	[sflag:s24] =	ssyncadd.s32 $0xFFFF9C00  }
0x139: {  	[spmem:s2] =	stream.indirect.scatter.add.f32 [tilespmem:s21], [sflag:$0x3], $0x40, s14, s20, $0xb8;
	[tilespmem:$0x1F9A0] =	vst v63  }
0x13a: {  	_ =	swait.ge [sflag:s25], $0x6400  }
0x13b: {  	[sflag:s25] =	ssyncset.done $0x0  }
0x13c: {  	s11 =	sadd.s32 $0x28A0, s11;
	[sflag:s25] =	ssyncadd.s32 $0xFFFF9C00  }
0x13d: {  	[spmem:s2] =	stream.indirect.scatter.add.f32 [tilespmem:s22], [sflag:$0x4], $0x40, s11, s20, $0xb8;
	[tilespmem:$0x1F9A0] =	vst v63  }
0x13e: {  	_ =	swait.ge [sflag:s26], $0x6400  }
0x13f: {  	[sflag:s26] =	ssyncset.done $0x0  }
0x140: {  	[sflag:s26] =	ssyncadd.s32 $0xFFFF9C00  }
0x141: {  	_ =	swait.ge [sflag:s28], $0x6400  }
0x142: {  	[sflag:s28] =	ssyncset.done $0x0  }
0x143: {  	[sflag:s28] =	ssyncadd.s32 $0xFFFF9C00  }
0x144: {  	[tilespmem:s21], [sflag:$0x1] =	stream.indirect.gather [hbm4b:s5+s20], $0x40, s29, s20, $0xb8;
	[tilespmem:$0x1F9A0] =	vst v63  }
0x145: {  	_ =	swait.ge [sflag:s24], $0x6400  }
0x146: {  	[sflag:s24] =	ssyncset.done $0x0  }
0x147: {  	[sflag:s24] =	ssyncadd.s32 $0xFFFF9C00  }
0x148: {  	[spmem:s2] =	stream.indirect.scatter.add.f32 [tilespmem:s21], [sflag:$0x5], $0x40, s30, s20, $0xb8;
	[tilespmem:$0x1F9A0] =	vst v63  }
0x149: {  	_ =	swait.ge [sflag:s18], $0x6400  }
0x14a: {  	s3 =	sadd.s32 $0x1, s3;
	[sflag:s18] =	ssyncset.done $0x0  }
0x14b: {  	p0 =	sne.s32 s3, s16;
	[sflag:s18] =	ssyncadd.s32 $0xFFFF9C00  }
.Ltmp4:
0x14c: {  	[bflag:$0x0] =	sbarrier.arrive $0xFFFF;
	(pc) =	sbr.rel @p0 .LBB2_1-.Ltmp4, $4  }
0x14d: {  	[hbm:s15@s31], [sflag:s19] =	dma.strided [spmem:s0@s1], $0x1388, s24, $0x8   }
0x14e: {  	_ =	swait.ge [sflag:s18], $0x1388  }
0x14f: {  	[sflag:s18] =	ssyncset.done $0x0  }
0x150: {  	[sflag:s18] =	ssyncadd.s32 $0xFFFFEC78  }
0x151: {  	_ =	sfence.sel $0x180000  }
0x152: {  	[bflag:$0x0] =	sbarrier.arrive $0xFFFF  }
0x153: {  	_ =	strace $0x90000047  }
0x154: {  	s0 =	stileid.u32;
	[bflag:$0x2] =	sbarrier.arrive $0xFFFF  }
0x155: {  	p0 =	sne.s32 s0, $0x0;
	s0 =	rddreg [dreg:$0x3]  }
0x156: {  	s0 =	sadd.s32 @!p0 $0x100000, s0  }
0x157: {  	[sflag:s0] =	ssyncadd.tile.s32 @!p0 $0x1;
	_ =	shalt  }
.Lfunc_end2:
_tile_overlayer_lowered:
.L_overlay_start_2:
0x158: {  	(tag) =	ssettag $0x2  }
0x159: {  	s0 =	rddreg [dreg:$0x0];
	s2 =	stileid.u32  }
0x15a: {  	s1 =	rddreg [dreg:$0x1];
	p0 =	sne.s32 s2, $0x0  }
0x15b: {  	s3 =	rddreg [dreg:$0x2];
	[bflag:$0x3] =	sbarrier.arrive $0xFFFF;
	s2 =	simm.s32 @!p0 $0x1C05  }
0x15c: {  	[timem:s3], [sflag:s2] =	dma.local @!p0 [hbm:s0], s1  }
0x15d: {  	s0 =	simm.s32 @!p0 $0x5  }
0x15e: {  	_ =	swait.ge @!p0 [sflag:s0], s1  }
0x15f: {  	s1 =	ssub.s32 @!p0 $0x0, s1;
	[sflag:s0] =	ssyncset.done @!p0 $0x0  }
0x160: {  	[sflag:s0] =	ssyncadd.s32 @!p0 s1  }
0x161: {  	[bflag:$0x3] =	sbarrier.arrive $0xFFFF  }
0x162: {  	_ =	shalt  }

</sc_bundles>
